<compile_context>
chip_gen: v7x
topology: tpu7x:2x2x1
jax: 0.10.2.dev20260603
libtpu: 0.0.44.dev20260713+nightly
codegen_flags: <defaults>
</compile_context>

<pallas_src>
import jax
import jax.numpy as jnp
from jax import lax
from jax.experimental import pallas as pl
from jax.experimental.pallas import tpu as pltpu
from jax.experimental.pallas import tpu_sc as plsc

_B = 16384
_ROBERTA_DIM = 768
_EMB_DIM = 4
_D_IN = _ROBERTA_DIM + 1 + _EMB_DIM
_D_H = _D_IN // 2

_NC = 2
_NS = 16
_NW = _NC * _NS
_CHUNK = 128

_ELEMS_PER_W = _EMB_DIM * _B // _NW
_ECHUNKS_PER_W = _ELEMS_PER_W // _CHUNK


def _sc_gather(fidx_hbm, tabf_hbm, out_hbm, fidx_v, vals_v, sem):
    wid = lax.axis_index("s") * _NC + lax.axis_index("c")
    pltpu.sync_copy(fidx_hbm.at[pl.ds(wid * _ECHUNKS_PER_W, _ECHUNKS_PER_W)],
                    fidx_v)
    copies = []
    for j in range(_ECHUNKS_PER_W):
        copies.append(
            pltpu.async_copy(
                tabf_hbm.at[fidx_v.at[j]],
                vals_v.at[pl.ds(j * _CHUNK, _CHUNK)],
                sem,
            )
        )
    for c in copies:
        c.wait()
    pltpu.sync_copy(vals_v, out_hbm.at[pl.ds(wid * _ELEMS_PER_W,
                                             _ELEMS_PER_W)])


@jax.jit
def _gather_rows(user_indices, user_emb_table):
    fidx = (jnp.arange(4, dtype=jnp.int32)[:, None] * 1000000
            + user_indices[None, :])
    fidx = fidx.reshape(_EMB_DIM * _B // _CHUNK, _CHUNK)
    tabf = user_emb_table.T.reshape(-1)
    mesh = plsc.VectorSubcoreMesh(core_axis_name="c", subcore_axis_name="s")
    k = pl.kernel(
        _sc_gather,
        out_type=jax.ShapeDtypeStruct((_B * _EMB_DIM,), jnp.float32),
        mesh=mesh,
        scratch_types=[
            pltpu.VMEM((_ECHUNKS_PER_W, _CHUNK), jnp.int32),
            pltpu.VMEM((_ELEMS_PER_W,), jnp.float32),
            pltpu.SemaphoreType.DMA,
        ],
    )
    return k(fidx, tabf).reshape(_EMB_DIM, _B)


def _mlp_body(cls_ref, usr_ref, isw_ref, w1t_ref, b1_ref,
              w2_ref, b2_ref, aro_ref, val_ref):
    x = cls_ref[...]
    w1t = w1t_ref[...]
    acc = lax.dot_general(x, w1t[:, :_ROBERTA_DIM],
                          (((1,), (1,)), ((), ())),
                          preferred_element_type=jnp.float32)
    acc += lax.dot_general(
        jnp.transpose(usr_ref[...]),
        w1t[:, _ROBERTA_DIM:_ROBERTA_DIM + _EMB_DIM],
        (((1,), (1,)), ((), ())),
        preferred_element_type=jnp.float32)
    acc += isw_ref[...] * jnp.transpose(w1t[:, _D_IN - 1:])
    acc += b1_ref[...]
    h = 0.5 * acc * (1.0 + lax.erf(acc * 0.7071067811865476))
    logits = jnp.dot(h, w2_ref[...], preferred_element_type=jnp.float32)
    logits_t = jnp.transpose(logits) + b2_ref[...]
    aro_ref[...] = jax.nn.sigmoid(logits_t[1])
    val_ref[...] = jax.nn.sigmoid(logits_t[0])


@jax.jit
def _mlp(cls_embeddings, user_matrix_t, is_word_indices, W1, b1, W2, b2):
    bb = 2048
    grid = (_B // bb,)
    return pl.pallas_call(
        _mlp_body,
        grid=grid,
        in_specs=[
            pl.BlockSpec((bb, _ROBERTA_DIM), lambda i: (i, 0)),
            pl.BlockSpec((_EMB_DIM, bb), lambda i: (0, i)),
            pl.BlockSpec((bb, 1), lambda i: (i, 0)),
            pl.BlockSpec((_D_H, _D_IN), lambda i: (0, 0)),
            pl.BlockSpec((1, _D_H), lambda i: (0, 0)),
            pl.BlockSpec((_D_H, 2), lambda i: (0, 0)),
            pl.BlockSpec((2, 1), lambda i: (0, 0)),
        ],
        out_specs=[
            pl.BlockSpec((bb,), lambda i: (i,)),
            pl.BlockSpec((bb,), lambda i: (i,)),
        ],
        out_shape=[
            jax.ShapeDtypeStruct((_B,), jnp.float32),
            jax.ShapeDtypeStruct((_B,), jnp.float32),
        ],
        compiler_params=pltpu.CompilerParams(
            fuse_transposed_lhs_in_matmul=True,
            vmem_limit_bytes=100 * 1024 * 1024),
    )(cls_embeddings, user_matrix_t, is_word_indices, W1.T,
      b1.reshape(1, _D_H), W2, b2.reshape(2, 1))


def kernel(cls_embeddings, user_indices, is_word_indices, user_emb_table,
           W1, b1, W2, b2):
    user_matrix_t = _gather_rows(user_indices, user_emb_table)
    arousal, valence = _mlp(cls_embeddings, user_matrix_t, is_word_indices,
                            W1, b1, W2, b2)
    return (arousal, valence)

# --- scband reference (transcript-rebuilt; emitter-appended) ---
"""Pipeline reference for scband-version-aaffect-classifier-1932735283527 (READ-ONLY COPY).

The authoritative reference and input builder live on the scoring server;
editing this copy changes nothing except your own understanding.
"""

import jax, jax.numpy as jnp
import numpy as np

NUM_USERS = 1000000
ROBERTA_DIM = 768
EMB_DIM = 4
D_IN = ROBERTA_DIM + 1 + EMB_DIM  # 773
D_H = D_IN // 2  # 386
B = 16384


def setup_inputs(seed: int = 0) -> dict:
    key = jax.random.key(seed)
    ks = jax.random.split(key, 8)
    cls_embeddings = jax.random.normal(ks[0], (B, ROBERTA_DIM), dtype=jnp.float32)
    user_indices = jax.random.randint(ks[1], (B,), 0, NUM_USERS, dtype=jnp.int32)
    is_word_indices = jax.random.uniform(ks[2], (B, 1), dtype=jnp.float32)
    # learned params
    user_emb_table = jax.random.normal(ks[3], (NUM_USERS, EMB_DIM), dtype=jnp.float32) * 0.02
    W1 = jax.random.normal(ks[4], (D_IN, D_H), dtype=jnp.float32) * float(np.sqrt(2.0 / (D_IN + D_H)))
    b1 = jnp.zeros((D_H,), dtype=jnp.float32)
    W2 = jax.random.normal(ks[5], (D_H, 2), dtype=jnp.float32) * float(np.sqrt(2.0 / (D_H + 2)))
    b2 = jnp.zeros((2,), dtype=jnp.float32)
    return {
        "cls_embeddings": cls_embeddings,
        "user_indices": user_indices,
        "is_word_indices": is_word_indices,
        "user_emb_table": user_emb_table,
        "W1": W1,
        "b1": b1,
        "W2": W2,
        "b2": b2,
    }


def reference(cls_embeddings, user_indices, is_word_indices, user_emb_table, W1, b1, W2, b2):
    # embedding lookup (gather)
    user_matrix = jnp.take(user_emb_table, user_indices, axis=0)
    full_feature_matrix = jnp.concatenate([cls_embeddings, user_matrix, is_word_indices], axis=1)
    # MLP: Linear -> GELU (exact, torch default) -> Dropout(eval: identity) -> Linear
    h = jax.nn.gelu(full_feature_matrix @ W1 + b1, approximate=False)
    logits = h @ W2 + b2
    probs = jax.nn.sigmoid(logits)
    valence_probs = probs[:, 0]
    arousal_probs = probs[:, 1]
    return (arousal_probs, valence_probs)

if __name__ == "__main__":
    import jax
    _d = setup_inputs()
    print(jax.jit(kernel)(*tuple(_d.values())))

</pallas_src>

<mosaic_0001>
#map = affine_map<(d0, d1) -> (0, 0)>
#map1 = affine_map<(d0, d1) -> (0)>
module attributes {stable_mosaic.version = 14 : i64} {
  func.func @_sc_gather(%arg0: i32, %arg1: i32, %arg2: memref<512x128xi32, #tpu.memory_space<hbm>>, %arg3: memref<4000000xf32, #tpu.memory_space<hbm>>, %arg4: memref<65536xf32, #tpu.memory_space<hbm>>, %arg5: memref<16x128xi32, #tpu.memory_space<vmem>>, %arg6: memref<2048xf32, #tpu.memory_space<vmem>>, %arg7: memref<!tpu.dma_semaphore, #tpu.memory_space<semaphore_mem>>) attributes {dimension_semantics = [#tpu.dimension_semantics<core_parallel>, #tpu.dimension_semantics<subcore_parallel>], iteration_bounds = array<i64: 2, 16>, scalar_prefetch = 0 : i64, scratch_operands = 3 : i64, tpu.core_type = #tpu.core_type<sc_vector_subcore>, window_params = [{transform_indices = #map}, {transform_indices = #map1}, {transform_indices = #map1}]} {
    %mul3A = arith.constant 2 : i32
    %mul3A_0 = arith.muli %arg1, %mul3A : i32
    %add3A = arith.addi %mul3A_0, %arg0 : i32
    %mul3A_1 = arith.constant 16 : i32
    %mul3A_2 = arith.muli %add3A, %mul3A_1 : i32
    "tpu.region"() ({
      %run_scoped3A = tpu.sem_alloc : memref<!tpu.dma_semaphore, #tpu.memory_space<semaphore_mem>>
      %dma_start3A_259 = arith.constant 0 : i32
      %dma_start3A_260 = tpu.memref_slice %arg2[%mul3A_2, %dma_start3A_259] : memref<512x128xi32, #tpu.memory_space<hbm>> -> memref<16x128xi32, #tpu.memory_space<hbm>>
      %dma_start3A_261 = arith.constant 0 : i32
      %dma_start3A_262 = tpu.memref_slice %arg2[%mul3A_2, %dma_start3A_261] : memref<512x128xi32, #tpu.memory_space<hbm>> -> memref<16x128xi32, #tpu.memory_space<hbm>>
      tpu.enqueue_dma source(%dma_start3A_262 : memref<16x128xi32, #tpu.memory_space<hbm>>) target(%arg5 : memref<16x128xi32, #tpu.memory_space<vmem>>) target_semaphore(%run_scoped3A : memref<!tpu.dma_semaphore, #tpu.memory_space<semaphore_mem>>)
      %dma_wait3A_263 = arith.constant 0 : i32
      %dma_wait3A_264 = tpu.memref_slice %arg2[%mul3A_2, %dma_wait3A_263] : memref<512x128xi32, #tpu.memory_space<hbm>> -> memref<16x128xi32, #tpu.memory_space<hbm>>
      %dma_wait3A_265 = arith.constant 0 : i32
      %dma_wait3A_266 = tpu.memref_slice %arg2[%mul3A_2, %dma_wait3A_265] : memref<512x128xi32, #tpu.memory_space<hbm>> -> memref<16x128xi32, #tpu.memory_space<hbm>>
      tpu.wait_dma2 semaphore(%run_scoped3A : memref<!tpu.dma_semaphore, #tpu.memory_space<semaphore_mem>>) src(%dma_wait3A_266 : memref<16x128xi32, #tpu.memory_space<hbm>>) dst(%arg5 : memref<16x128xi32, #tpu.memory_space<vmem>>)
      tpu.yield
    }) : () -> ()
    %dma_start3A = arith.constant 0 : i32
    %dma_start3A_3 = arith.constant 0 : i32
    %dma_start3A_4 = tpu.memref_slice %arg6[%dma_start3A_3] : memref<2048xf32, #tpu.memory_space<vmem>> -> memref<128xf32, #tpu.memory_space<vmem>>
    %dma_start3A_5 = arith.constant 0 : i32
    %dma_start3A_6 = tpu.memref_slice %arg5[%dma_start3A, %dma_start3A_5] : memref<16x128xi32, #tpu.memory_space<vmem>> -> memref<1x128xi32, #tpu.memory_space<vmem>>
    %dma_start3A_7 = tpu.memref_squeeze %dma_start3A_6 : memref<1x128xi32, #tpu.memory_space<vmem>> -> memref<128xi32, #tpu.memory_space<vmem>>
    %dma_start3A_8 = arith.constant 0 : i32
    %dma_start3A_9 = tpu.memref_slice %arg3[%dma_start3A_8] : memref<4000000xf32, #tpu.memory_space<hbm>> -> memref<4000000xf32, #tpu.memory_space<hbm>>
    tpu.enqueue_indirect_dma source(%dma_start3A_9 : memref<4000000xf32, #tpu.memory_space<hbm>>) target(%dma_start3A_4 : memref<128xf32, #tpu.memory_space<vmem>>) offsets(%dma_start3A_7 : memref<128xi32, #tpu.memory_space<vmem>>) semaphore(%arg7 : memref<!tpu.dma_semaphore, #tpu.memory_space<semaphore_mem>>)
    %dma_start3A_10 = arith.constant 1 : i32
    %dma_start3A_11 = arith.constant 128 : i32
    %dma_start3A_12 = tpu.memref_slice %arg6[%dma_start3A_11] : memref<2048xf32, #tpu.memory_space<vmem>> -> memref<128xf32, #tpu.memory_space<vmem>>
    %dma_start3A_13 = arith.constant 0 : i32
    %dma_start3A_14 = tpu.memref_slice %arg5[%dma_start3A_10, %dma_start3A_13] : memref<16x128xi32, #tpu.memory_space<vmem>> -> memref<1x128xi32, #tpu.memory_space<vmem>>
    %dma_start3A_15 = tpu.memref_squeeze %dma_start3A_14 : memref<1x128xi32, #tpu.memory_space<vmem>> -> memref<128xi32, #tpu.memory_space<vmem>>
    %dma_start3A_16 = arith.constant 0 : i32
    %dma_start3A_17 = tpu.memref_slice %arg3[%dma_start3A_16] : memref<4000000xf32, #tpu.memory_space<hbm>> -> memref<4000000xf32, #tpu.memory_space<hbm>>
    tpu.enqueue_indirect_dma source(%dma_start3A_17 : memref<4000000xf32, #tpu.memory_space<hbm>>) target(%dma_start3A_12 : memref<128xf32, #tpu.memory_space<vmem>>) offsets(%dma_start3A_15 : memref<128xi32, #tpu.memory_space<vmem>>) semaphore(%arg7 : memref<!tpu.dma_semaphore, #tpu.memory_space<semaphore_mem>>)
    %dma_start3A_18 = arith.constant 2 : i32
    %dma_start3A_19 = arith.constant 256 : i32
    %dma_start3A_20 = tpu.memref_slice %arg6[%dma_start3A_19] : memref<2048xf32, #tpu.memory_space<vmem>> -> memref<128xf32, #tpu.memory_space<vmem>>
    %dma_start3A_21 = arith.constant 0 : i32
    %dma_start3A_22 = tpu.memref_slice %arg5[%dma_start3A_18, %dma_start3A_21] : memref<16x128xi32, #tpu.memory_space<vmem>> -> memref<1x128xi32, #tpu.memory_space<vmem>>
    %dma_start3A_23 = tpu.memref_squeeze %dma_start3A_22 : memref<1x128xi32, #tpu.memory_space<vmem>> -> memref<128xi32, #tpu.memory_space<vmem>>
    %dma_start3A_24 = arith.constant 0 : i32
    %dma_start3A_25 = tpu.memref_slice %arg3[%dma_start3A_24] : memref<4000000xf32, #tpu.memory_space<hbm>> -> memref<4000000xf32, #tpu.memory_space<hbm>>
    tpu.enqueue_indirect_dma source(%dma_start3A_25 : memref<4000000xf32, #tpu.memory_space<hbm>>) target(%dma_start3A_20 : memref<128xf32, #tpu.memory_space<vmem>>) offsets(%dma_start3A_23 : memref<128xi32, #tpu.memory_space<vmem>>) semaphore(%arg7 : memref<!tpu.dma_semaphore, #tpu.memory_space<semaphore_mem>>)
    %dma_start3A_26 = arith.constant 3 : i32
    %dma_start3A_27 = arith.constant 384 : i32
    %dma_start3A_28 = tpu.memref_slice %arg6[%dma_start3A_27] : memref<2048xf32, #tpu.memory_space<vmem>> -> memref<128xf32, #tpu.memory_space<vmem>>
    %dma_start3A_29 = arith.constant 0 : i32
    %dma_start3A_30 = tpu.memref_slice %arg5[%dma_start3A_26, %dma_start3A_29] : memref<16x128xi32, #tpu.memory_space<vmem>> -> memref<1x128xi32, #tpu.memory_space<vmem>>
    %dma_start3A_31 = tpu.memref_squeeze %dma_start3A_30 : memref<1x128xi32, #tpu.memory_space<vmem>> -> memref<128xi32, #tpu.memory_space<vmem>>
    %dma_start3A_32 = arith.constant 0 : i32
    %dma_start3A_33 = tpu.memref_slice %arg3[%dma_start3A_32] : memref<4000000xf32, #tpu.memory_space<hbm>> -> memref<4000000xf32, #tpu.memory_space<hbm>>
    tpu.enqueue_indirect_dma source(%dma_start3A_33 : memref<4000000xf32, #tpu.memory_space<hbm>>) target(%dma_start3A_28 : memref<128xf32, #tpu.memory_space<vmem>>) offsets(%dma_start3A_31 : memref<128xi32, #tpu.memory_space<vmem>>) semaphore(%arg7 : memref<!tpu.dma_semaphore, #tpu.memory_space<semaphore_mem>>)
    %dma_start3A_34 = arith.constant 4 : i32
    %dma_start3A_35 = arith.constant 512 : i32
    %dma_start3A_36 = tpu.memref_slice %arg6[%dma_start3A_35] : memref<2048xf32, #tpu.memory_space<vmem>> -> memref<128xf32, #tpu.memory_space<vmem>>
    %dma_start3A_37 = arith.constant 0 : i32
    %dma_start3A_38 = tpu.memref_slice %arg5[%dma_start3A_34, %dma_start3A_37] : memref<16x128xi32, #tpu.memory_space<vmem>> -> memref<1x128xi32, #tpu.memory_space<vmem>>
    %dma_start3A_39 = tpu.memref_squeeze %dma_start3A_38 : memref<1x128xi32, #tpu.memory_space<vmem>> -> memref<128xi32, #tpu.memory_space<vmem>>
    %dma_start3A_40 = arith.constant 0 : i32
    %dma_start3A_41 = tpu.memref_slice %arg3[%dma_start3A_40] : memref<4000000xf32, #tpu.memory_space<hbm>> -> memref<4000000xf32, #tpu.memory_space<hbm>>
    tpu.enqueue_indirect_dma source(%dma_start3A_41 : memref<4000000xf32, #tpu.memory_space<hbm>>) target(%dma_start3A_36 : memref<128xf32, #tpu.memory_space<vmem>>) offsets(%dma_start3A_39 : memref<128xi32, #tpu.memory_space<vmem>>) semaphore(%arg7 : memref<!tpu.dma_semaphore, #tpu.memory_space<semaphore_mem>>)
    %dma_start3A_42 = arith.constant 5 : i32
    %dma_start3A_43 = arith.constant 640 : i32
    %dma_start3A_44 = tpu.memref_slice %arg6[%dma_start3A_43] : memref<2048xf32, #tpu.memory_space<vmem>> -> memref<128xf32, #tpu.memory_space<vmem>>
    %dma_start3A_45 = arith.constant 0 : i32
    %dma_start3A_46 = tpu.memref_slice %arg5[%dma_start3A_42, %dma_start3A_45] : memref<16x128xi32, #tpu.memory_space<vmem>> -> memref<1x128xi32, #tpu.memory_space<vmem>>
    %dma_start3A_47 = tpu.memref_squeeze %dma_start3A_46 : memref<1x128xi32, #tpu.memory_space<vmem>> -> memref<128xi32, #tpu.memory_space<vmem>>
    %dma_start3A_48 = arith.constant 0 : i32
    %dma_start3A_49 = tpu.memref_slice %arg3[%dma_start3A_48] : memref<4000000xf32, #tpu.memory_space<hbm>> -> memref<4000000xf32, #tpu.memory_space<hbm>>
    tpu.enqueue_indirect_dma source(%dma_start3A_49 : memref<4000000xf32, #tpu.memory_space<hbm>>) target(%dma_start3A_44 : memref<128xf32, #tpu.memory_space<vmem>>) offsets(%dma_start3A_47 : memref<128xi32, #tpu.memory_space<vmem>>) semaphore(%arg7 : memref<!tpu.dma_semaphore, #tpu.memory_space<semaphore_mem>>)
    %dma_start3A_50 = arith.constant 6 : i32
    %dma_start3A_51 = arith.constant 768 : i32
    %dma_start3A_52 = tpu.memref_slice %arg6[%dma_start3A_51] : memref<2048xf32, #tpu.memory_space<vmem>> -> memref<128xf32, #tpu.memory_space<vmem>>
    %dma_start3A_53 = arith.constant 0 : i32
    %dma_start3A_54 = tpu.memref_slice %arg5[%dma_start3A_50, %dma_start3A_53] : memref<16x128xi32, #tpu.memory_space<vmem>> -> memref<1x128xi32, #tpu.memory_space<vmem>>
    %dma_start3A_55 = tpu.memref_squeeze %dma_start3A_54 : memref<1x128xi32, #tpu.memory_space<vmem>> -> memref<128xi32, #tpu.memory_space<vmem>>
    %dma_start3A_56 = arith.constant 0 : i32
    %dma_start3A_57 = tpu.memref_slice %arg3[%dma_start3A_56] : memref<4000000xf32, #tpu.memory_space<hbm>> -> memref<4000000xf32, #tpu.memory_space<hbm>>
    tpu.enqueue_indirect_dma source(%dma_start3A_57 : memref<4000000xf32, #tpu.memory_space<hbm>>) target(%dma_start3A_52 : memref<128xf32, #tpu.memory_space<vmem>>) offsets(%dma_start3A_55 : memref<128xi32, #tpu.memory_space<vmem>>) semaphore(%arg7 : memref<!tpu.dma_semaphore, #tpu.memory_space<semaphore_mem>>)
    %dma_start3A_58 = arith.constant 7 : i32
    %dma_start3A_59 = arith.constant 896 : i32
    %dma_start3A_60 = tpu.memref_slice %arg6[%dma_start3A_59] : memref<2048xf32, #tpu.memory_space<vmem>> -> memref<128xf32, #tpu.memory_space<vmem>>
    %dma_start3A_61 = arith.constant 0 : i32
    %dma_start3A_62 = tpu.memref_slice %arg5[%dma_start3A_58, %dma_start3A_61] : memref<16x128xi32, #tpu.memory_space<vmem>> -> memref<1x128xi32, #tpu.memory_space<vmem>>
    %dma_start3A_63 = tpu.memref_squeeze %dma_start3A_62 : memref<1x128xi32, #tpu.memory_space<vmem>> -> memref<128xi32, #tpu.memory_space<vmem>>
    %dma_start3A_64 = arith.constant 0 : i32
    %dma_start3A_65 = tpu.memref_slice %arg3[%dma_start3A_64] : memref<4000000xf32, #tpu.memory_space<hbm>> -> memref<4000000xf32, #tpu.memory_space<hbm>>
    tpu.enqueue_indirect_dma source(%dma_start3A_65 : memref<4000000xf32, #tpu.memory_space<hbm>>) target(%dma_start3A_60 : memref<128xf32, #tpu.memory_space<vmem>>) offsets(%dma_start3A_63 : memref<128xi32, #tpu.memory_space<vmem>>) semaphore(%arg7 : memref<!tpu.dma_semaphore, #tpu.memory_space<semaphore_mem>>)
    %dma_start3A_66 = arith.constant 8 : i32
    %dma_start3A_67 = arith.constant 1024 : i32
    %dma_start3A_68 = tpu.memref_slice %arg6[%dma_start3A_67] : memref<2048xf32, #tpu.memory_space<vmem>> -> memref<128xf32, #tpu.memory_space<vmem>>
    %dma_start3A_69 = arith.constant 0 : i32
    %dma_start3A_70 = tpu.memref_slice %arg5[%dma_start3A_66, %dma_start3A_69] : memref<16x128xi32, #tpu.memory_space<vmem>> -> memref<1x128xi32, #tpu.memory_space<vmem>>
    %dma_start3A_71 = tpu.memref_squeeze %dma_start3A_70 : memref<1x128xi32, #tpu.memory_space<vmem>> -> memref<128xi32, #tpu.memory_space<vmem>>
    %dma_start3A_72 = arith.constant 0 : i32
    %dma_start3A_73 = tpu.memref_slice %arg3[%dma_start3A_72] : memref<4000000xf32, #tpu.memory_space<hbm>> -> memref<4000000xf32, #tpu.memory_space<hbm>>
    tpu.enqueue_indirect_dma source(%dma_start3A_73 : memref<4000000xf32, #tpu.memory_space<hbm>>) target(%dma_start3A_68 : memref<128xf32, #tpu.memory_space<vmem>>) offsets(%dma_start3A_71 : memref<128xi32, #tpu.memory_space<vmem>>) semaphore(%arg7 : memref<!tpu.dma_semaphore, #tpu.memory_space<semaphore_mem>>)
    %dma_start3A_74 = arith.constant 9 : i32
    %dma_start3A_75 = arith.constant 1152 : i32
    %dma_start3A_76 = tpu.memref_slice %arg6[%dma_start3A_75] : memref<2048xf32, #tpu.memory_space<vmem>> -> memref<128xf32, #tpu.memory_space<vmem>>
    %dma_start3A_77 = arith.constant 0 : i32
    %dma_start3A_78 = tpu.memref_slice %arg5[%dma_start3A_74, %dma_start3A_77] : memref<16x128xi32, #tpu.memory_space<vmem>> -> memref<1x128xi32, #tpu.memory_space<vmem>>
    %dma_start3A_79 = tpu.memref_squeeze %dma_start3A_78 : memref<1x128xi32, #tpu.memory_space<vmem>> -> memref<128xi32, #tpu.memory_space<vmem>>
    %dma_start3A_80 = arith.constant 0 : i32
    %dma_start3A_81 = tpu.memref_slice %arg3[%dma_start3A_80] : memref<4000000xf32, #tpu.memory_space<hbm>> -> memref<4000000xf32, #tpu.memory_space<hbm>>
    tpu.enqueue_indirect_dma source(%dma_start3A_81 : memref<4000000xf32, #tpu.memory_space<hbm>>) target(%dma_start3A_76 : memref<128xf32, #tpu.memory_space<vmem>>) offsets(%dma_start3A_79 : memref<128xi32, #tpu.memory_space<vmem>>) semaphore(%arg7 : memref<!tpu.dma_semaphore, #tpu.memory_space<semaphore_mem>>)
    %dma_start3A_82 = arith.constant 10 : i32
    %dma_start3A_83 = arith.constant 1280 : i32
    %dma_start3A_84 = tpu.memref_slice %arg6[%dma_start3A_83] : memref<2048xf32, #tpu.memory_space<vmem>> -> memref<128xf32, #tpu.memory_space<vmem>>
    %dma_start3A_85 = arith.constant 0 : i32
    %dma_start3A_86 = tpu.memref_slice %arg5[%dma_start3A_82, %dma_start3A_85] : memref<16x128xi32, #tpu.memory_space<vmem>> -> memref<1x128xi32, #tpu.memory_space<vmem>>
    %dma_start3A_87 = tpu.memref_squeeze %dma_start3A_86 : memref<1x128xi32, #tpu.memory_space<vmem>> -> memref<128xi32, #tpu.memory_space<vmem>>
    %dma_start3A_88 = arith.constant 0 : i32
    %dma_start3A_89 = tpu.memref_slice %arg3[%dma_start3A_88] : memref<4000000xf32, #tpu.memory_space<hbm>> -> memref<4000000xf32, #tpu.memory_space<hbm>>
    tpu.enqueue_indirect_dma source(%dma_start3A_89 : memref<4000000xf32, #tpu.memory_space<hbm>>) target(%dma_start3A_84 : memref<128xf32, #tpu.memory_space<vmem>>) offsets(%dma_start3A_87 : memref<128xi32, #tpu.memory_space<vmem>>) semaphore(%arg7 : memref<!tpu.dma_semaphore, #tpu.memory_space<semaphore_mem>>)
    %dma_start3A_90 = arith.constant 11 : i32
    %dma_start3A_91 = arith.constant 1408 : i32
    %dma_start3A_92 = tpu.memref_slice %arg6[%dma_start3A_91] : memref<2048xf32, #tpu.memory_space<vmem>> -> memref<128xf32, #tpu.memory_space<vmem>>
    %dma_start3A_93 = arith.constant 0 : i32
    %dma_start3A_94 = tpu.memref_slice %arg5[%dma_start3A_90, %dma_start3A_93] : memref<16x128xi32, #tpu.memory_space<vmem>> -> memref<1x128xi32, #tpu.memory_space<vmem>>
    %dma_start3A_95 = tpu.memref_squeeze %dma_start3A_94 : memref<1x128xi32, #tpu.memory_space<vmem>> -> memref<128xi32, #tpu.memory_space<vmem>>
    %dma_start3A_96 = arith.constant 0 : i32
    %dma_start3A_97 = tpu.memref_slice %arg3[%dma_start3A_96] : memref<4000000xf32, #tpu.memory_space<hbm>> -> memref<4000000xf32, #tpu.memory_space<hbm>>
    tpu.enqueue_indirect_dma source(%dma_start3A_97 : memref<4000000xf32, #tpu.memory_space<hbm>>) target(%dma_start3A_92 : memref<128xf32, #tpu.memory_space<vmem>>) offsets(%dma_start3A_95 : memref<128xi32, #tpu.memory_space<vmem>>) semaphore(%arg7 : memref<!tpu.dma_semaphore, #tpu.memory_space<semaphore_mem>>)
    %dma_start3A_98 = arith.constant 12 : i32
    %dma_start3A_99 = arith.constant 1536 : i32
    %dma_start3A_100 = tpu.memref_slice %arg6[%dma_start3A_99] : memref<2048xf32, #tpu.memory_space<vmem>> -> memref<128xf32, #tpu.memory_space<vmem>>
    %dma_start3A_101 = arith.constant 0 : i32
    %dma_start3A_102 = tpu.memref_slice %arg5[%dma_start3A_98, %dma_start3A_101] : memref<16x128xi32, #tpu.memory_space<vmem>> -> memref<1x128xi32, #tpu.memory_space<vmem>>
    %dma_start3A_103 = tpu.memref_squeeze %dma_start3A_102 : memref<1x128xi32, #tpu.memory_space<vmem>> -> memref<128xi32, #tpu.memory_space<vmem>>
    %dma_start3A_104 = arith.constant 0 : i32
    %dma_start3A_105 = tpu.memref_slice %arg3[%dma_start3A_104] : memref<4000000xf32, #tpu.memory_space<hbm>> -> memref<4000000xf32, #tpu.memory_space<hbm>>
    tpu.enqueue_indirect_dma source(%dma_start3A_105 : memref<4000000xf32, #tpu.memory_space<hbm>>) target(%dma_start3A_100 : memref<128xf32, #tpu.memory_space<vmem>>) offsets(%dma_start3A_103 : memref<128xi32, #tpu.memory_space<vmem>>) semaphore(%arg7 : memref<!tpu.dma_semaphore, #tpu.memory_space<semaphore_mem>>)
    %dma_start3A_106 = arith.constant 13 : i32
    %dma_start3A_107 = arith.constant 1664 : i32
    %dma_start3A_108 = tpu.memref_slice %arg6[%dma_start3A_107] : memref<2048xf32, #tpu.memory_space<vmem>> -> memref<128xf32, #tpu.memory_space<vmem>>
    %dma_start3A_109 = arith.constant 0 : i32
    %dma_start3A_110 = tpu.memref_slice %arg5[%dma_start3A_106, %dma_start3A_109] : memref<16x128xi32, #tpu.memory_space<vmem>> -> memref<1x128xi32, #tpu.memory_space<vmem>>
    %dma_start3A_111 = tpu.memref_squeeze %dma_start3A_110 : memref<1x128xi32, #tpu.memory_space<vmem>> -> memref<128xi32, #tpu.memory_space<vmem>>
    %dma_start3A_112 = arith.constant 0 : i32
    %dma_start3A_113 = tpu.memref_slice %arg3[%dma_start3A_112] : memref<4000000xf32, #tpu.memory_space<hbm>> -> memref<4000000xf32, #tpu.memory_space<hbm>>
    tpu.enqueue_indirect_dma source(%dma_start3A_113 : memref<4000000xf32, #tpu.memory_space<hbm>>) target(%dma_start3A_108 : memref<128xf32, #tpu.memory_space<vmem>>) offsets(%dma_start3A_111 : memref<128xi32, #tpu.memory_space<vmem>>) semaphore(%arg7 : memref<!tpu.dma_semaphore, #tpu.memory_space<semaphore_mem>>)
    %dma_start3A_114 = arith.constant 14 : i32
    %dma_start3A_115 = arith.constant 1792 : i32
    %dma_start3A_116 = tpu.memref_slice %arg6[%dma_start3A_115] : memref<2048xf32, #tpu.memory_space<vmem>> -> memref<128xf32, #tpu.memory_space<vmem>>
    %dma_start3A_117 = arith.constant 0 : i32
    %dma_start3A_118 = tpu.memref_slice %arg5[%dma_start3A_114, %dma_start3A_117] : memref<16x128xi32, #tpu.memory_space<vmem>> -> memref<1x128xi32, #tpu.memory_space<vmem>>
    %dma_start3A_119 = tpu.memref_squeeze %dma_start3A_118 : memref<1x128xi32, #tpu.memory_space<vmem>> -> memref<128xi32, #tpu.memory_space<vmem>>
    %dma_start3A_120 = arith.constant 0 : i32
    %dma_start3A_121 = tpu.memref_slice %arg3[%dma_start3A_120] : memref<4000000xf32, #tpu.memory_space<hbm>> -> memref<4000000xf32, #tpu.memory_space<hbm>>
    tpu.enqueue_indirect_dma source(%dma_start3A_121 : memref<4000000xf32, #tpu.memory_space<hbm>>) target(%dma_start3A_116 : memref<128xf32, #tpu.memory_space<vmem>>) offsets(%dma_start3A_119 : memref<128xi32, #tpu.memory_space<vmem>>) semaphore(%arg7 : memref<!tpu.dma_semaphore, #tpu.memory_space<semaphore_mem>>)
    %dma_start3A_122 = arith.constant 15 : i32
    %dma_start3A_123 = arith.constant 1920 : i32
    %dma_start3A_124 = tpu.memref_slice %arg6[%dma_start3A_123] : memref<2048xf32, #tpu.memory_space<vmem>> -> memref<128xf32, #tpu.memory_space<vmem>>
    %dma_start3A_125 = arith.constant 0 : i32
    %dma_start3A_126 = tpu.memref_slice %arg5[%dma_start3A_122, %dma_start3A_125] : memref<16x128xi32, #tpu.memory_space<vmem>> -> memref<1x128xi32, #tpu.memory_space<vmem>>
    %dma_start3A_127 = tpu.memref_squeeze %dma_start3A_126 : memref<1x128xi32, #tpu.memory_space<vmem>> -> memref<128xi32, #tpu.memory_space<vmem>>
    %dma_start3A_128 = arith.constant 0 : i32
    %dma_start3A_129 = tpu.memref_slice %arg3[%dma_start3A_128] : memref<4000000xf32, #tpu.memory_space<hbm>> -> memref<4000000xf32, #tpu.memory_space<hbm>>
    tpu.enqueue_indirect_dma source(%dma_start3A_129 : memref<4000000xf32, #tpu.memory_space<hbm>>) target(%dma_start3A_124 : memref<128xf32, #tpu.memory_space<vmem>>) offsets(%dma_start3A_127 : memref<128xi32, #tpu.memory_space<vmem>>) semaphore(%arg7 : memref<!tpu.dma_semaphore, #tpu.memory_space<semaphore_mem>>)
    %dma_wait3A = arith.constant 0 : i32
    %dma_wait3A_130 = arith.constant 0 : i32
    %dma_wait3A_131 = tpu.memref_slice %arg6[%dma_wait3A_130] : memref<2048xf32, #tpu.memory_space<vmem>> -> memref<128xf32, #tpu.memory_space<vmem>>
    %dma_wait3A_132 = arith.constant 0 : i32
    %dma_wait3A_133 = tpu.memref_slice %arg5[%dma_wait3A, %dma_wait3A_132] : memref<16x128xi32, #tpu.memory_space<vmem>> -> memref<1x128xi32, #tpu.memory_space<vmem>>
    %dma_wait3A_134 = tpu.memref_squeeze %dma_wait3A_133 : memref<1x128xi32, #tpu.memory_space<vmem>> -> memref<128xi32, #tpu.memory_space<vmem>>
    %dma_wait3A_135 = arith.constant 0 : i32
    %dma_wait3A_136 = tpu.memref_slice %arg3[%dma_wait3A_135] : memref<4000000xf32, #tpu.memory_space<hbm>> -> memref<4000000xf32, #tpu.memory_space<hbm>>
    tpu.wait_indirect_dma semaphore(%arg7 : memref<!tpu.dma_semaphore, #tpu.memory_space<semaphore_mem>>) src(%dma_wait3A_136 : memref<4000000xf32, #tpu.memory_space<hbm>>) dst(%dma_wait3A_131 : memref<128xf32, #tpu.memory_space<vmem>>)
    %dma_wait3A_137 = arith.constant 1 : i32
    %dma_wait3A_138 = arith.constant 128 : i32
    %dma_wait3A_139 = tpu.memref_slice %arg6[%dma_wait3A_138] : memref<2048xf32, #tpu.memory_space<vmem>> -> memref<128xf32, #tpu.memory_space<vmem>>
    %dma_wait3A_140 = arith.constant 0 : i32
    %dma_wait3A_141 = tpu.memref_slice %arg5[%dma_wait3A_137, %dma_wait3A_140] : memref<16x128xi32, #tpu.memory_space<vmem>> -> memref<1x128xi32, #tpu.memory_space<vmem>>
    %dma_wait3A_142 = tpu.memref_squeeze %dma_wait3A_141 : memref<1x128xi32, #tpu.memory_space<vmem>> -> memref<128xi32, #tpu.memory_space<vmem>>
    %dma_wait3A_143 = arith.constant 0 : i32
    %dma_wait3A_144 = tpu.memref_slice %arg3[%dma_wait3A_143] : memref<4000000xf32, #tpu.memory_space<hbm>> -> memref<4000000xf32, #tpu.memory_space<hbm>>
    tpu.wait_indirect_dma semaphore(%arg7 : memref<!tpu.dma_semaphore, #tpu.memory_space<semaphore_mem>>) src(%dma_wait3A_144 : memref<4000000xf32, #tpu.memory_space<hbm>>) dst(%dma_wait3A_139 : memref<128xf32, #tpu.memory_space<vmem>>)
    %dma_wait3A_145 = arith.constant 2 : i32
    %dma_wait3A_146 = arith.constant 256 : i32
    %dma_wait3A_147 = tpu.memref_slice %arg6[%dma_wait3A_146] : memref<2048xf32, #tpu.memory_space<vmem>> -> memref<128xf32, #tpu.memory_space<vmem>>
    %dma_wait3A_148 = arith.constant 0 : i32
    %dma_wait3A_149 = tpu.memref_slice %arg5[%dma_wait3A_145, %dma_wait3A_148] : memref<16x128xi32, #tpu.memory_space<vmem>> -> memref<1x128xi32, #tpu.memory_space<vmem>>
    %dma_wait3A_150 = tpu.memref_squeeze %dma_wait3A_149 : memref<1x128xi32, #tpu.memory_space<vmem>> -> memref<128xi32, #tpu.memory_space<vmem>>
    %dma_wait3A_151 = arith.constant 0 : i32
    %dma_wait3A_152 = tpu.memref_slice %arg3[%dma_wait3A_151] : memref<4000000xf32, #tpu.memory_space<hbm>> -> memref<4000000xf32, #tpu.memory_space<hbm>>
    tpu.wait_indirect_dma semaphore(%arg7 : memref<!tpu.dma_semaphore, #tpu.memory_space<semaphore_mem>>) src(%dma_wait3A_152 : memref<4000000xf32, #tpu.memory_space<hbm>>) dst(%dma_wait3A_147 : memref<128xf32, #tpu.memory_space<vmem>>)
    %dma_wait3A_153 = arith.constant 3 : i32
    %dma_wait3A_154 = arith.constant 384 : i32
    %dma_wait3A_155 = tpu.memref_slice %arg6[%dma_wait3A_154] : memref<2048xf32, #tpu.memory_space<vmem>> -> memref<128xf32, #tpu.memory_space<vmem>>
    %dma_wait3A_156 = arith.constant 0 : i32
    %dma_wait3A_157 = tpu.memref_slice %arg5[%dma_wait3A_153, %dma_wait3A_156] : memref<16x128xi32, #tpu.memory_space<vmem>> -> memref<1x128xi32, #tpu.memory_space<vmem>>
    %dma_wait3A_158 = tpu.memref_squeeze %dma_wait3A_157 : memref<1x128xi32, #tpu.memory_space<vmem>> -> memref<128xi32, #tpu.memory_space<vmem>>
    %dma_wait3A_159 = arith.constant 0 : i32
    %dma_wait3A_160 = tpu.memref_slice %arg3[%dma_wait3A_159] : memref<4000000xf32, #tpu.memory_space<hbm>> -> memref<4000000xf32, #tpu.memory_space<hbm>>
    tpu.wait_indirect_dma semaphore(%arg7 : memref<!tpu.dma_semaphore, #tpu.memory_space<semaphore_mem>>) src(%dma_wait3A_160 : memref<4000000xf32, #tpu.memory_space<hbm>>) dst(%dma_wait3A_155 : memref<128xf32, #tpu.memory_space<vmem>>)
    %dma_wait3A_161 = arith.constant 4 : i32
    %dma_wait3A_162 = arith.constant 512 : i32
    %dma_wait3A_163 = tpu.memref_slice %arg6[%dma_wait3A_162] : memref<2048xf32, #tpu.memory_space<vmem>> -> memref<128xf32, #tpu.memory_space<vmem>>
    %dma_wait3A_164 = arith.constant 0 : i32
    %dma_wait3A_165 = tpu.memref_slice %arg5[%dma_wait3A_161, %dma_wait3A_164] : memref<16x128xi32, #tpu.memory_space<vmem>> -> memref<1x128xi32, #tpu.memory_space<vmem>>
    %dma_wait3A_166 = tpu.memref_squeeze %dma_wait3A_165 : memref<1x128xi32, #tpu.memory_space<vmem>> -> memref<128xi32, #tpu.memory_space<vmem>>
    %dma_wait3A_167 = arith.constant 0 : i32
    %dma_wait3A_168 = tpu.memref_slice %arg3[%dma_wait3A_167] : memref<4000000xf32, #tpu.memory_space<hbm>> -> memref<4000000xf32, #tpu.memory_space<hbm>>
    tpu.wait_indirect_dma semaphore(%arg7 : memref<!tpu.dma_semaphore, #tpu.memory_space<semaphore_mem>>) src(%dma_wait3A_168 : memref<4000000xf32, #tpu.memory_space<hbm>>) dst(%dma_wait3A_163 : memref<128xf32, #tpu.memory_space<vmem>>)
    %dma_wait3A_169 = arith.constant 5 : i32
    %dma_wait3A_170 = arith.constant 640 : i32
    %dma_wait3A_171 = tpu.memref_slice %arg6[%dma_wait3A_170] : memref<2048xf32, #tpu.memory_space<vmem>> -> memref<128xf32, #tpu.memory_space<vmem>>
    %dma_wait3A_172 = arith.constant 0 : i32
    %dma_wait3A_173 = tpu.memref_slice %arg5[%dma_wait3A_169, %dma_wait3A_172] : memref<16x128xi32, #tpu.memory_space<vmem>> -> memref<1x128xi32, #tpu.memory_space<vmem>>
    %dma_wait3A_174 = tpu.memref_squeeze %dma_wait3A_173 : memref<1x128xi32, #tpu.memory_space<vmem>> -> memref<128xi32, #tpu.memory_space<vmem>>
    %dma_wait3A_175 = arith.constant 0 : i32
    %dma_wait3A_176 = tpu.memref_slice %arg3[%dma_wait3A_175] : memref<4000000xf32, #tpu.memory_space<hbm>> -> memref<4000000xf32, #tpu.memory_space<hbm>>
    tpu.wait_indirect_dma semaphore(%arg7 : memref<!tpu.dma_semaphore, #tpu.memory_space<semaphore_mem>>) src(%dma_wait3A_176 : memref<4000000xf32, #tpu.memory_space<hbm>>) dst(%dma_wait3A_171 : memref<128xf32, #tpu.memory_space<vmem>>)
    %dma_wait3A_177 = arith.constant 6 : i32
    %dma_wait3A_178 = arith.constant 768 : i32
    %dma_wait3A_179 = tpu.memref_slice %arg6[%dma_wait3A_178] : memref<2048xf32, #tpu.memory_space<vmem>> -> memref<128xf32, #tpu.memory_space<vmem>>
    %dma_wait3A_180 = arith.constant 0 : i32
    %dma_wait3A_181 = tpu.memref_slice %arg5[%dma_wait3A_177, %dma_wait3A_180] : memref<16x128xi32, #tpu.memory_space<vmem>> -> memref<1x128xi32, #tpu.memory_space<vmem>>
    %dma_wait3A_182 = tpu.memref_squeeze %dma_wait3A_181 : memref<1x128xi32, #tpu.memory_space<vmem>> -> memref<128xi32, #tpu.memory_space<vmem>>
    %dma_wait3A_183 = arith.constant 0 : i32
    %dma_wait3A_184 = tpu.memref_slice %arg3[%dma_wait3A_183] : memref<4000000xf32, #tpu.memory_space<hbm>> -> memref<4000000xf32, #tpu.memory_space<hbm>>
    tpu.wait_indirect_dma semaphore(%arg7 : memref<!tpu.dma_semaphore, #tpu.memory_space<semaphore_mem>>) src(%dma_wait3A_184 : memref<4000000xf32, #tpu.memory_space<hbm>>) dst(%dma_wait3A_179 : memref<128xf32, #tpu.memory_space<vmem>>)
    %dma_wait3A_185 = arith.constant 7 : i32
    %dma_wait3A_186 = arith.constant 896 : i32
    %dma_wait3A_187 = tpu.memref_slice %arg6[%dma_wait3A_186] : memref<2048xf32, #tpu.memory_space<vmem>> -> memref<128xf32, #tpu.memory_space<vmem>>
    %dma_wait3A_188 = arith.constant 0 : i32
    %dma_wait3A_189 = tpu.memref_slice %arg5[%dma_wait3A_185, %dma_wait3A_188] : memref<16x128xi32, #tpu.memory_space<vmem>> -> memref<1x128xi32, #tpu.memory_space<vmem>>
    %dma_wait3A_190 = tpu.memref_squeeze %dma_wait3A_189 : memref<1x128xi32, #tpu.memory_space<vmem>> -> memref<128xi32, #tpu.memory_space<vmem>>
    %dma_wait3A_191 = arith.constant 0 : i32
    %dma_wait3A_192 = tpu.memref_slice %arg3[%dma_wait3A_191] : memref<4000000xf32, #tpu.memory_space<hbm>> -> memref<4000000xf32, #tpu.memory_space<hbm>>
    tpu.wait_indirect_dma semaphore(%arg7 : memref<!tpu.dma_semaphore, #tpu.memory_space<semaphore_mem>>) src(%dma_wait3A_192 : memref<4000000xf32, #tpu.memory_space<hbm>>) dst(%dma_wait3A_187 : memref<128xf32, #tpu.memory_space<vmem>>)
    %dma_wait3A_193 = arith.constant 8 : i32
    %dma_wait3A_194 = arith.constant 1024 : i32
    %dma_wait3A_195 = tpu.memref_slice %arg6[%dma_wait3A_194] : memref<2048xf32, #tpu.memory_space<vmem>> -> memref<128xf32, #tpu.memory_space<vmem>>
    %dma_wait3A_196 = arith.constant 0 : i32
    %dma_wait3A_197 = tpu.memref_slice %arg5[%dma_wait3A_193, %dma_wait3A_196] : memref<16x128xi32, #tpu.memory_space<vmem>> -> memref<1x128xi32, #tpu.memory_space<vmem>>
    %dma_wait3A_198 = tpu.memref_squeeze %dma_wait3A_197 : memref<1x128xi32, #tpu.memory_space<vmem>> -> memref<128xi32, #tpu.memory_space<vmem>>
    %dma_wait3A_199 = arith.constant 0 : i32
    %dma_wait3A_200 = tpu.memref_slice %arg3[%dma_wait3A_199] : memref<4000000xf32, #tpu.memory_space<hbm>> -> memref<4000000xf32, #tpu.memory_space<hbm>>
    tpu.wait_indirect_dma semaphore(%arg7 : memref<!tpu.dma_semaphore, #tpu.memory_space<semaphore_mem>>) src(%dma_wait3A_200 : memref<4000000xf32, #tpu.memory_space<hbm>>) dst(%dma_wait3A_195 : memref<128xf32, #tpu.memory_space<vmem>>)
    %dma_wait3A_201 = arith.constant 9 : i32
    %dma_wait3A_202 = arith.constant 1152 : i32
    %dma_wait3A_203 = tpu.memref_slice %arg6[%dma_wait3A_202] : memref<2048xf32, #tpu.memory_space<vmem>> -> memref<128xf32, #tpu.memory_space<vmem>>
    %dma_wait3A_204 = arith.constant 0 : i32
    %dma_wait3A_205 = tpu.memref_slice %arg5[%dma_wait3A_201, %dma_wait3A_204] : memref<16x128xi32, #tpu.memory_space<vmem>> -> memref<1x128xi32, #tpu.memory_space<vmem>>
    %dma_wait3A_206 = tpu.memref_squeeze %dma_wait3A_205 : memref<1x128xi32, #tpu.memory_space<vmem>> -> memref<128xi32, #tpu.memory_space<vmem>>
    %dma_wait3A_207 = arith.constant 0 : i32
    %dma_wait3A_208 = tpu.memref_slice %arg3[%dma_wait3A_207] : memref<4000000xf32, #tpu.memory_space<hbm>> -> memref<4000000xf32, #tpu.memory_space<hbm>>
    tpu.wait_indirect_dma semaphore(%arg7 : memref<!tpu.dma_semaphore, #tpu.memory_space<semaphore_mem>>) src(%dma_wait3A_208 : memref<4000000xf32, #tpu.memory_space<hbm>>) dst(%dma_wait3A_203 : memref<128xf32, #tpu.memory_space<vmem>>)
    %dma_wait3A_209 = arith.constant 10 : i32
    %dma_wait3A_210 = arith.constant 1280 : i32
    %dma_wait3A_211 = tpu.memref_slice %arg6[%dma_wait3A_210] : memref<2048xf32, #tpu.memory_space<vmem>> -> memref<128xf32, #tpu.memory_space<vmem>>
    %dma_wait3A_212 = arith.constant 0 : i32
    %dma_wait3A_213 = tpu.memref_slice %arg5[%dma_wait3A_209, %dma_wait3A_212] : memref<16x128xi32, #tpu.memory_space<vmem>> -> memref<1x128xi32, #tpu.memory_space<vmem>>
    %dma_wait3A_214 = tpu.memref_squeeze %dma_wait3A_213 : memref<1x128xi32, #tpu.memory_space<vmem>> -> memref<128xi32, #tpu.memory_space<vmem>>
    %dma_wait3A_215 = arith.constant 0 : i32
    %dma_wait3A_216 = tpu.memref_slice %arg3[%dma_wait3A_215] : memref<4000000xf32, #tpu.memory_space<hbm>> -> memref<4000000xf32, #tpu.memory_space<hbm>>
    tpu.wait_indirect_dma semaphore(%arg7 : memref<!tpu.dma_semaphore, #tpu.memory_space<semaphore_mem>>) src(%dma_wait3A_216 : memref<4000000xf32, #tpu.memory_space<hbm>>) dst(%dma_wait3A_211 : memref<128xf32, #tpu.memory_space<vmem>>)
    %dma_wait3A_217 = arith.constant 11 : i32
    %dma_wait3A_218 = arith.constant 1408 : i32
    %dma_wait3A_219 = tpu.memref_slice %arg6[%dma_wait3A_218] : memref<2048xf32, #tpu.memory_space<vmem>> -> memref<128xf32, #tpu.memory_space<vmem>>
    %dma_wait3A_220 = arith.constant 0 : i32
    %dma_wait3A_221 = tpu.memref_slice %arg5[%dma_wait3A_217, %dma_wait3A_220] : memref<16x128xi32, #tpu.memory_space<vmem>> -> memref<1x128xi32, #tpu.memory_space<vmem>>
    %dma_wait3A_222 = tpu.memref_squeeze %dma_wait3A_221 : memref<1x128xi32, #tpu.memory_space<vmem>> -> memref<128xi32, #tpu.memory_space<vmem>>
    %dma_wait3A_223 = arith.constant 0 : i32
    %dma_wait3A_224 = tpu.memref_slice %arg3[%dma_wait3A_223] : memref<4000000xf32, #tpu.memory_space<hbm>> -> memref<4000000xf32, #tpu.memory_space<hbm>>
    tpu.wait_indirect_dma semaphore(%arg7 : memref<!tpu.dma_semaphore, #tpu.memory_space<semaphore_mem>>) src(%dma_wait3A_224 : memref<4000000xf32, #tpu.memory_space<hbm>>) dst(%dma_wait3A_219 : memref<128xf32, #tpu.memory_space<vmem>>)
    %dma_wait3A_225 = arith.constant 12 : i32
    %dma_wait3A_226 = arith.constant 1536 : i32
    %dma_wait3A_227 = tpu.memref_slice %arg6[%dma_wait3A_226] : memref<2048xf32, #tpu.memory_space<vmem>> -> memref<128xf32, #tpu.memory_space<vmem>>
    %dma_wait3A_228 = arith.constant 0 : i32
    %dma_wait3A_229 = tpu.memref_slice %arg5[%dma_wait3A_225, %dma_wait3A_228] : memref<16x128xi32, #tpu.memory_space<vmem>> -> memref<1x128xi32, #tpu.memory_space<vmem>>
    %dma_wait3A_230 = tpu.memref_squeeze %dma_wait3A_229 : memref<1x128xi32, #tpu.memory_space<vmem>> -> memref<128xi32, #tpu.memory_space<vmem>>
    %dma_wait3A_231 = arith.constant 0 : i32
    %dma_wait3A_232 = tpu.memref_slice %arg3[%dma_wait3A_231] : memref<4000000xf32, #tpu.memory_space<hbm>> -> memref<4000000xf32, #tpu.memory_space<hbm>>
    tpu.wait_indirect_dma semaphore(%arg7 : memref<!tpu.dma_semaphore, #tpu.memory_space<semaphore_mem>>) src(%dma_wait3A_232 : memref<4000000xf32, #tpu.memory_space<hbm>>) dst(%dma_wait3A_227 : memref<128xf32, #tpu.memory_space<vmem>>)
    %dma_wait3A_233 = arith.constant 13 : i32
    %dma_wait3A_234 = arith.constant 1664 : i32
    %dma_wait3A_235 = tpu.memref_slice %arg6[%dma_wait3A_234] : memref<2048xf32, #tpu.memory_space<vmem>> -> memref<128xf32, #tpu.memory_space<vmem>>
    %dma_wait3A_236 = arith.constant 0 : i32
    %dma_wait3A_237 = tpu.memref_slice %arg5[%dma_wait3A_233, %dma_wait3A_236] : memref<16x128xi32, #tpu.memory_space<vmem>> -> memref<1x128xi32, #tpu.memory_space<vmem>>
    %dma_wait3A_238 = tpu.memref_squeeze %dma_wait3A_237 : memref<1x128xi32, #tpu.memory_space<vmem>> -> memref<128xi32, #tpu.memory_space<vmem>>
    %dma_wait3A_239 = arith.constant 0 : i32
    %dma_wait3A_240 = tpu.memref_slice %arg3[%dma_wait3A_239] : memref<4000000xf32, #tpu.memory_space<hbm>> -> memref<4000000xf32, #tpu.memory_space<hbm>>
    tpu.wait_indirect_dma semaphore(%arg7 : memref<!tpu.dma_semaphore, #tpu.memory_space<semaphore_mem>>) src(%dma_wait3A_240 : memref<4000000xf32, #tpu.memory_space<hbm>>) dst(%dma_wait3A_235 : memref<128xf32, #tpu.memory_space<vmem>>)
    %dma_wait3A_241 = arith.constant 14 : i32
    %dma_wait3A_242 = arith.constant 1792 : i32
    %dma_wait3A_243 = tpu.memref_slice %arg6[%dma_wait3A_242] : memref<2048xf32, #tpu.memory_space<vmem>> -> memref<128xf32, #tpu.memory_space<vmem>>
    %dma_wait3A_244 = arith.constant 0 : i32
    %dma_wait3A_245 = tpu.memref_slice %arg5[%dma_wait3A_241, %dma_wait3A_244] : memref<16x128xi32, #tpu.memory_space<vmem>> -> memref<1x128xi32, #tpu.memory_space<vmem>>
    %dma_wait3A_246 = tpu.memref_squeeze %dma_wait3A_245 : memref<1x128xi32, #tpu.memory_space<vmem>> -> memref<128xi32, #tpu.memory_space<vmem>>
    %dma_wait3A_247 = arith.constant 0 : i32
    %dma_wait3A_248 = tpu.memref_slice %arg3[%dma_wait3A_247] : memref<4000000xf32, #tpu.memory_space<hbm>> -> memref<4000000xf32, #tpu.memory_space<hbm>>
    tpu.wait_indirect_dma semaphore(%arg7 : memref<!tpu.dma_semaphore, #tpu.memory_space<semaphore_mem>>) src(%dma_wait3A_248 : memref<4000000xf32, #tpu.memory_space<hbm>>) dst(%dma_wait3A_243 : memref<128xf32, #tpu.memory_space<vmem>>)
    %dma_wait3A_249 = arith.constant 15 : i32
    %dma_wait3A_250 = arith.constant 1920 : i32
    %dma_wait3A_251 = tpu.memref_slice %arg6[%dma_wait3A_250] : memref<2048xf32, #tpu.memory_space<vmem>> -> memref<128xf32, #tpu.memory_space<vmem>>
    %dma_wait3A_252 = arith.constant 0 : i32
    %dma_wait3A_253 = tpu.memref_slice %arg5[%dma_wait3A_249, %dma_wait3A_252] : memref<16x128xi32, #tpu.memory_space<vmem>> -> memref<1x128xi32, #tpu.memory_space<vmem>>
    %dma_wait3A_254 = tpu.memref_squeeze %dma_wait3A_253 : memref<1x128xi32, #tpu.memory_space<vmem>> -> memref<128xi32, #tpu.memory_space<vmem>>
    %dma_wait3A_255 = arith.constant 0 : i32
    %dma_wait3A_256 = tpu.memref_slice %arg3[%dma_wait3A_255] : memref<4000000xf32, #tpu.memory_space<hbm>> -> memref<4000000xf32, #tpu.memory_space<hbm>>
    tpu.wait_indirect_dma semaphore(%arg7 : memref<!tpu.dma_semaphore, #tpu.memory_space<semaphore_mem>>) src(%dma_wait3A_256 : memref<4000000xf32, #tpu.memory_space<hbm>>) dst(%dma_wait3A_251 : memref<128xf32, #tpu.memory_space<vmem>>)
    %mul3A_257 = arith.constant 2048 : i32
    %mul3A_258 = arith.muli %add3A, %mul3A_257 : i32
    "tpu.region"() ({
      %run_scoped3A = tpu.sem_alloc : memref<!tpu.dma_semaphore, #tpu.memory_space<semaphore_mem>>
      %dma_start3A_259 = tpu.memref_slice %arg4[%mul3A_258] : memref<65536xf32, #tpu.memory_space<hbm>> -> memref<2048xf32, #tpu.memory_space<hbm>>
      %dma_start3A_260 = tpu.memref_slice %arg4[%mul3A_258] : memref<65536xf32, #tpu.memory_space<hbm>> -> memref<2048xf32, #tpu.memory_space<hbm>>
      tpu.enqueue_dma source(%arg6 : memref<2048xf32, #tpu.memory_space<vmem>>) target(%dma_start3A_260 : memref<2048xf32, #tpu.memory_space<hbm>>) target_semaphore(%run_scoped3A : memref<!tpu.dma_semaphore, #tpu.memory_space<semaphore_mem>>)
      %dma_wait3A_261 = tpu.memref_slice %arg4[%mul3A_258] : memref<65536xf32, #tpu.memory_space<hbm>> -> memref<2048xf32, #tpu.memory_space<hbm>>
      %dma_wait3A_262 = tpu.memref_slice %arg4[%mul3A_258] : memref<65536xf32, #tpu.memory_space<hbm>> -> memref<2048xf32, #tpu.memory_space<hbm>>
      tpu.wait_dma2 semaphore(%run_scoped3A : memref<!tpu.dma_semaphore, #tpu.memory_space<semaphore_mem>>) src(%arg6 : memref<2048xf32, #tpu.memory_space<vmem>>) dst(%dma_wait3A_262 : memref<2048xf32, #tpu.memory_space<hbm>>)
      tpu.yield
    }) : () -> ()
    return
  }
}

</mosaic_0001>

<sc_bundles>
// kernel: _gather_rows.3.cloned.1.call-start
scs
__scs_entry_jumppad:
0x0: {  	(pc) =	sbr.rel $0x88, $3  }
0x1: {  	(tag) =	ssettag $0x0;
	lr =	simm.s32 $0x1  }
0x2: {  	[smem:$0x3F9F] =	sst lr;
	_ =	strace $0xD0000000  }
0x3: {  	_ = 	snop  }
0x4: {  	_ = 	snop  }
0x5: {  	_ = 	snop  }
0x6: {  	_ = 	snop  }
0x7: {  	_ = 	snop  }
__scs_overlays_trampoline_lowered:
0x8: {  	[smem:$0x3FAE] =	sst s0  }
0x9: {  	[smem:$0x3FAF] =	sst s1  }
0xa: {  	[smem:$0x3FB0] =	sst s2  }
0xb: {  	[smem:$0x3FB1] =	sst s3  }
0xc: {  	[smem:$0x3FB2] =	sst s4  }
0xd: {  	[smem:$0x3FB3] =	sst s5  }
0xe: {  	[smem:$0x3FB4] =	sst s6  }
0xf: {  	[smem:$0x3FB5] =	sst s7  }
0x10: {  	[smem:$0x3FB6] =	sst s8  }
0x11: {  	[smem:$0x3FB7] =	sst s9;
	s0 =	simm.s32 @!p0 $0x0  }
0x12: {  	s1 =	sld [smem:$0x3F9D];
	s0 =	simm.s32 @p0 $0x1  }
0x13: {  	[smem:$0x3FB8] =	sst s0;
	s0 =	simm.s32 @!p1 $0x0  }
0x14: {  	s2 =	sld [smem:$0x3F9C];
	s0 =	simm.s32 @p1 $0x1  }
0x15: {  	[smem:$0x3FB9] =	sst s0;
	s0 =	simm.s32 @!p2 $0x0  }
0x16: {  	s3 =	sld [smem:$0x3FDB];
	s0 =	simm.s32 @p2 $0x1  }
0x17: {  	s4 =	simm.s32 $0x1BF5;
	[smem:$0x3FBB] =	sst s0  }
0x18: {  	s0 =	sld [smem:$0x3F9E];
	_ =	swait.ge [sflag:s4], $0x0  }
0x19: {  	s7 =	sld [smem:$0x3F9F]  }
0x1a: {  	s8 =	sadd.s32 $0xFFFFE003, lr  }
0x1b: {  	s9 =	sadd.s32 $0xFFFFFEF7, lr;
	s5 =	simm.s32 $0xFFFFFFFF;
	p2 =	slt.u32 s8, $0xFFFFF086  }
0x1c: {  	p1 =	slt.u32 s9, $0xF7A;
	s5 =	simm.s32 @!p2 $0x0  }
0x1d: {  	s5 =	simm.s32 @p1 $0x1;
	p0 =	seq.s32 s7, s2  }
0x1e: {  	s7 =	smul.u32 @!p0 $0xF7A, s2;
	p2 =	seq.s32 @!p0 s5, $0x0  }
0x1f: {  	s9 =	smul.u32 $0xF7A, s1;
	s8 =	simm.s32 @!p0 $0x1BF5;
	p2 =	por !p2, p0  }
0x20: {  	[sflag:s8] =	ssyncset.s32 @!p0 $0xFFFFF086;
	s6 =	sadd.s32 @!p0 s3, s7;
	s7 =	simm.s32 @!p0 $0x108  }
0x21: {  	s3 =	sadd.s32 s3, s9;
	s6 =	sadd.s32 @!p0 $0x88, s6;
	s7 =	simm.s32 @p2 $0x1082  }
0x22: {  	[simem:s7], [sflag:s8] =	dma.local @!p0 [hbm:s6], $0xF7A  }
0x23: {  	s9 =	sor.u32 $0xD0000000, s2;
	s6 =	simm.s32 $0x108;
	_ =	swait.ge @!p0 [sflag:s8], $0x0  }
0x24: {  	s3 =	sadd.s32 $0x88, s3;
	s6 =	simm.s32 @!p1 $0x1082;
	[sflag:s4] =	ssyncset.s32 $0xFFFFF086  }
0x25: {  	[simem:s6], [sflag:s4] =	dma.local [hbm:s3], $0xF7A  }
0x26: {  	[smem:$0x3F9F] =	sst s1;
	(tag) =	ssettag s2;
	_ =	strace s9  }
0x27: {  	s1 =	sld [smem:$0x3FAF]  }
0x28: {  	s2 =	sld [smem:$0x3FB0]  }
0x29: {  	s4 =	sld [smem:$0x3FB2]  }
0x2a: {  	p0 =	seq.s32 s5, $0x0;
	s5 =	sld [smem:$0x3FB3]  }
0x2b: {  	s6 =	sld [smem:$0x3FB4]  }
0x2c: {  	s7 =	sld [smem:$0x3FB5]  }
0x2d: {  	s3 =	simm.s32 $0x108;
	s8 =	sld [smem:$0x3FB6]  }
0x2e: {  	s3 =	simm.s32 @!p0 $0x1082;
	s9 =	sld [smem:$0x3FB7]  }
0x2f: {  	lr =	sadd.s32 s0, s3;
	s0 =	sld [smem:$0x3FAE]  }
0x30: {  	s3 =	sld [smem:$0x3FB1]  }
0x31: {  	[smem:$0x3FBA] =	sst s10  }
0x32: {  	s10 =	sld [smem:$0x3FB8];
	_ =	sdelay $0x3  }
0x33: {  	p0 =	seq.s32 s10, $0x1;
	s10 =	sld [smem:$0x3FBA];
	_ =	sdelay $0x3  }
0x34: {  	[smem:$0x3FBA] =	sst s10  }
0x35: {  	s10 =	sld [smem:$0x3FB9];
	_ =	sdelay $0x3  }
0x36: {  	p1 =	seq.s32 s10, $0x1;
	s10 =	sld [smem:$0x3FBA];
	_ =	sdelay $0x3  }
0x37: {  	[smem:$0x3FBA] =	sst s10  }
0x38: {  	s10 =	sld [smem:$0x3FBB]  }
0x39: {  	_ = 	snop;
	(pc) =	sbr.ind lr, $3  }
0x3a: {  	_ = 	snop  }
0x3b: {  	_ = 	snop  }
0x3c: {  	p2 =	seq.s32 s10, $0x1;
	s10 =	sld [smem:$0x3FBA]  }
0x3d: {  	_ =	shalt  }
0x3e: {  	_ =	shalt  }
0x3f: {  	_ =	shalt  }
0x40: {  	_ =	shalt  }
0x41: {  	_ =	shalt  }
0x42: {  	_ =	shalt  }
0x43: {  	_ =	shalt  }
0x44: {  	_ =	shalt  }
0x45: {  	_ =	shalt  }
0x46: {  	_ =	shalt  }
0x47: {  	_ =	shalt  }
0x48: {  	_ =	shalt  }
0x49: {  	_ =	shalt  }
0x4a: {  	_ =	shalt  }
0x4b: {  	_ =	shalt  }
0x4c: {  	_ =	shalt  }
0x4d: {  	_ =	shalt  }
0x4e: {  	_ =	shalt  }
0x4f: {  	_ =	shalt  }
0x50: {  	_ =	shalt  }
0x51: {  	_ =	shalt  }
0x52: {  	_ =	shalt  }
0x53: {  	_ =	shalt  }
0x54: {  	_ =	shalt  }
0x55: {  	_ =	shalt  }
0x56: {  	_ =	shalt  }
0x57: {  	_ =	shalt  }
0x58: {  	_ =	shalt  }
0x59: {  	_ =	shalt  }
0x5a: {  	_ =	shalt  }
0x5b: {  	_ =	shalt  }
0x5c: {  	_ =	shalt  }
0x5d: {  	_ =	shalt  }
0x5e: {  	_ =	shalt  }
0x5f: {  	_ =	shalt  }
0x60: {  	_ =	shalt  }
0x61: {  	_ =	shalt  }
0x62: {  	_ =	shalt  }
0x63: {  	_ =	shalt  }
0x64: {  	_ =	shalt  }
0x65: {  	_ =	shalt  }
0x66: {  	_ =	shalt  }
0x67: {  	_ =	shalt  }
0x68: {  	_ =	shalt  }
0x69: {  	_ =	shalt  }
0x6a: {  	_ =	shalt  }
0x6b: {  	_ =	shalt  }
0x6c: {  	_ =	shalt  }
0x6d: {  	_ =	shalt  }
0x6e: {  	_ =	shalt  }
0x6f: {  	_ =	shalt  }
0x70: {  	_ =	shalt  }
0x71: {  	_ =	shalt  }
0x72: {  	_ =	shalt  }
0x73: {  	_ =	shalt  }
0x74: {  	_ =	shalt  }
0x75: {  	_ =	shalt  }
0x76: {  	_ =	shalt  }
0x77: {  	_ =	shalt  }
0x78: {  	_ =	shalt  }
0x79: {  	_ =	shalt  }
0x7a: {  	_ =	shalt  }
0x7b: {  	_ =	shalt  }
0x7c: {  	_ =	shalt  }
0x7d: {  	_ =	shalt  }
0x7e: {  	_ =	shalt  }
0x7f: {  	_ =	shalt  }
0x80: {  	_ =	shalt  }
0x81: {  	_ =	shalt  }
0x82: {  	_ =	shalt  }
0x83: {  	_ =	shalt  }
0x84: {  	_ =	shalt  }
0x85: {  	_ =	shalt  }
0x86: {  	_ =	shalt  }
0x87: {  	_ =	shalt  }
.Lfunc_end0:
.L_simem_size_0:
called_computation_lowered:
.L_overlay_start_0:
0x88: {  	s2 =	sld [smem:$0x3FD9]  }
0x89: {  	s3 =	sld [smem:$0x3FFE];
	_ =	sdelay $0x1  }
0x8a: {  	s1 =	srdreg.scid  }
0x8b: {  	s0 =	sand.u32 $0x1, s1  }
0x8c: {  	s17 =	sshll.u32 s0, $0xA;
	s2 =	sadd.s32 s3, s2  }
0x8d: {  	s2 =	sadd.s32 s2, s17  }
0x8e: {  	[smem:$0x3FC6] =	sst s2  }
0x8f: {  	_ = 	snop  }
0x90: {  	s2 =	sld [smem:$0x3FD0];
	(tm) =	ssettm $0x1  }
0x91: {  	s18 =	sld [smem:$0x3FFB];
	_ =	sdelay $0x3  }
0x92: {  	_ =	strace s18  }
0x93: {  	s3 =	sld [smem:$0x3FFC];
	_ =	sdelay $0x3  }
0x94: {  	_ =	strace s3  }
0x95: {  	s3 =	sld [smem:$0x3FFD];
	_ =	sdelay $0x3  }
0x96: {  	_ =	strace s3  }
0x97: {  	_ =	strace $0x8FFFFFFF  }
0x98: {  	s19 =	sld [smem:$0x3FDB];
	_ =	sdelay $0x1  }
0x99: {  	s4 =	simm.s32 $_scs_section_size  }
0x9a: {  	s5 =	simm.s32 $_size__tile_overlayer_lowered;
	s6 =	simm.s32 $_tile_overlayer_lowered  }
0x9b: {  	s22 =	simm.s32 $0x1BFF;
	s21 =	sshll.u32 s6, $0x1;
	s3 =	sadd.s32 s4, s19  }
0x9c: {  	s7 =	simm.s32 $0x0;
	s20 =	sshll.u32 s5, $0x1;
	s5 =	sadd.s32 s21, s3  }
0x9d: {  	[timem:s7], [sflag:s22] =	dma.local [hbm:s5], s20  }
0x9e: {  	_ =	swait.ge [sflag:s22], s20  }
0x9f: {  	s4 =	ssub.s32 $0x0, s20;
	[sflag:s22] =	ssyncset.done $0x0  }
0xa0: {  	[sflag:s22] =	ssyncadd.s32 s4;
	_ =	sdelay $0x1  }
0xa1: {  	s23 =	simm.s32 $0x1B8B  }
0xa2: {  	_ =	swait.ge [sflag:s23], $0x1  }
0xa3: {  	[sflag:s23] =	ssyncset.done $0x0  }
0xa4: {  	s25 =	simm.s32 $0x1B8E;
	s24 =	sld [smem:$0x3FFE];
	[sflag:s23] =	ssyncadd.s32 $0xFFFFFFFF  }
0xa5: {  	s26 =	simm.s32 $execute0_lowered;
	[smem:$0x3FD2] =	sst s25  }
0xa6: {  	s5 =	sshll.u32 s26, $0x1;
	_ =	strace $0x80000046;
	[dreg:$0x1] =	wrdreg $0xFFFFFFFF  }
0xa7: {  	s28 =	simm.s32 $_size_execute0_lowered;
	s3 =	sadd.s32 s3, s5;
	[dreg:$0x0] =	wrdreg $0x0  }
0xa8: {  	s5 =	sshll.u32 s28, $0x1;
	[dreg:$0x2] =	wrdreg s3  }
0xa9: {  	[dreg:$0x3] =	wrdreg s5  }
0xaa: {  	[dreg:$0x4] =	wrdreg $0xC0  }
0xab: {  	_ =	task [dreg:s7], $0x5FFFF  }
0xac: {  	[dreg:$0x1] =	wrdreg $0xFFFFFFFF  }
0xad: {  	[dreg:$0x0] =	wrdreg $0x60  }
0xae: {  	[dreg:$0x2] =	wrdreg s2  }
0xaf: {  	[dreg:$0x3] =	wrdreg s24  }
0xb0: {  	[dreg:$0x4] =	wrdreg $0x9  }
0xb1: {  	_ =	task.clear_ibuf [dreg:s7], $0x5FFFF;
	_ =	strace $0x90000046  }
0xb2: {  	s29 =	simm.s32 $0x9;
	_ =	strace $0x80000048  }
0xb3: {  	_ =	swait.ge [sflag:s29], $0x1  }
0xb4: {  	[sflag:s29] =	ssyncadd.s32 $0xFFFFFFFF  }
0xb5: {  	_ =	strace $0x90000048  }
0xb6: {  	_ =	sfence  }
0xb7: {  	s30 =	sld [smem:$0x0];
	_ =	sdelay $0x2  }
0xb8: {  	s31 =	sshll.u32 s1, $0xD;
	s1 =	sshrl.u32 s1, $0x2  }
0xb9: {  	s3 =	sand.u32 $0x4000, s31;
	s1 =	sadd.s32 s1, s30  }
0xba: {  	s0 =	sor.u32 s3, s0;
	s1 =	sshll.u32 s1, $0x11  }
0xbb: {  	s0 =	sor.u32 s1, s0  }
0xbc: {  	s0 =	sadd.s32 $0x8F2B, s0  }
0xbd: {  	[sflag:s0] =	ssyncadd.remote.s32 $0x1  }
0xbe: {  	_ =	sfence.sel $0xFFFF  }
0xbf: {  	[dreg:$0x0] =	wrdreg $0xFFFFFFFF;
	(pc) =	sbr.abs _section_cstart, $3  }
0xc0: {  	[dreg:$0x1] =	wrdreg $0xFFFFFFFF  }
0xc1: {  	_ =	task.clear_ibuf [dreg:s7], $0x2FFFF;
	_ =	strace $0x9FFFFFFF  }
0xc2: {  	(tm) =	ssettm $0x7FFFFFFF  }
0xc3: {  	_ =	shalt  }
tec
execute0_lowered:
.L_overlay_start_1:
0x0: {  	(tag) =	ssettag $0x1  }
0x1: {  	s0 =	rddreg [dreg:$0x0]  }
0x2: {  	s3 =	rddreg [dreg:$0x1]  }
0x3: {  	s2 =	srdreg.scid;
	s1 =	stileid.u32  }
0x4: {  	s7 =	simm.s32 $0x100;
	s8 =	simm.s32 $0x900;
	s9 =	simm.s32 $0x180  }
0x5: {  	s25 =	simm.s32 $0x980;
	s26 =	simm.s32 $0x200;
	s11 =	simm.s32 $0x300  }
0x6: {  	s12 =	simm.s32 $0xB00;
	s13 =	simm.s32 $0x380;
	s14 =	simm.s32 $0xB80  }
0x7: {  	s15 =	simm.s32 $0x400;
	s16 =	simm.s32 $0xC00;
	s17 =	simm.s32 $0x480  }
0x8: {  	s18 =	simm.s32 $0xC80;
	s19 =	simm.s32 $0x500;
	s20 =	simm.s32 $0xD00  }
0x9: {  	s21 =	simm.s32 $0x580;
	s22 =	simm.s32 $0xD80;
	s4 =	sand.u32 $0x1, s2  }
0xa: {  	s2 =	simm.s32 $0x0;
	s5 =	sshll.u32 s1, $0x9;
	s6 =	sshll.u32 s4, $0x8  }
0xb: {  	s23 =	simm.s32 $0x600;
	[smem:$0x7FF] =	sst s2;
	s5 =	sor.u32 s6, s5  }
0xc: {  	_ =	strace $0x80000047;
	[dreg:$0x6] =	wrdreg s7;
	s6 =	sadd.s32 s5, s3  }
0xd: {  	s0 =	sadd.s32 s0, s5;
	s5 =	ssub.s32 $0x2, s4;
	s1 =	sadd.s32 $0x7A800, s6  }
0xe: {  	s6 =	sadd.s32 $0x600, s3;
	s3 =	simm.s32 $0x880;
	s4 =	sshrl.u32 s5, $0x1  }
0xf: {  	s24 =	simm.s32 $0xE00;
	[dreg:$0x5] =	wrdreg s3;
	s3 =	ssub.s32 s5, s4  }
0x10: {  	p0 =	por $0x0, $0x0;
	[dreg:$0x7] =	wrdreg s8;
	s10 =	smax.u32 s3, $0x1  }
0x11: {  	s28 =	simm.s32 $0x700;
	[dreg:$0x8] =	wrdreg s9;
	p1 =	sne.s32 s10, $0x1  }
.Ltmp0:
0x12: {  	s29 =	simm.s32 $0xF00;
	[dreg:$0x9] =	wrdreg s25;
	(pc) =	sbr.rel @!p1 .LBB2_3-.Ltmp0, $4  }
0x13: {  	s30 =	simm.s32 $0x780;
	s31 =	simm.s32 $0xF80;
	[dreg:$0xa] =	wrdreg s26  }
0x14: {  	s7 =	simm.s32 $0x80;
	s25 =	simm.s32 $0x680;
	[dreg:$0x3] =	wrdreg s0  }
0x15: {  	s26 =	simm.s32 $0xE80;
	[dreg:$0x4] =	wrdreg s1;
	s4 =	simm.s32 $0x800  }
0x16: {  	s5 =	simm.s32 $0x1;
	s3 =	simm.s32 $0x2;
	s0 =	sadd.s32 $0xFFFFFFFF, s10  }
0x17: {  	s1 =	rddreg [dreg:$0x3]  }
0x18: {  	[tilespmem:s2], [sflag:$0x2] =	stream.linear.gather [hbm4b:s1+s2], $0x800, $0x38;
	[tilespmem:$0x1000] =	vst v63  }
0x19: {  	_ =	swait.ge [sflag:s3], $0x800  }
0x1a: {  	s10 =	rddreg [dreg:$0x6]  }
0x1b: {  	s1 =	rddreg [dreg:$0x7]  }
0x1c: {  	s8 =	rddreg [dreg:$0x9]  }
0x1d: {  	[dreg:$0xb] =	wrdreg s10  }
0x1e: {  	[sflag:s3] =	ssyncset.done $0x0;
	s10 =	smov.u32 s0;
	s0 =	rddreg [dreg:$0x5]  }
0x1f: {  	[sflag:s3] =	ssyncadd.s32 $0xFFFFF800;
	[dreg:$0xc] =	wrdreg s8  }
0x20: {  	[tilespmem:s4], [sflag:$0x1] =	stream.indirect.gather [hbm4b:s6+s7], $0x1, s2, s7, $0xb8;
	[tilespmem:$0x1000] =	vst v63  }
0x21: {  	s8 =	rddreg [dreg:$0xb]  }
0x22: {  	[tilespmem:s0], [sflag:$0x1] =	stream.indirect.gather [hbm4b:s6+s7], $0x1, s7, s7, $0xb8;
	[tilespmem:$0x1000] =	vst v63  }
0x23: {  	s0 =	rddreg [dreg:$0x8]  }
0x24: {  	[tilespmem:s1], [sflag:$0x1] =	stream.indirect.gather [hbm4b:s6+s7], $0x1, s8, s7, $0xb8;
	[tilespmem:$0x1000] =	vst v63  }
0x25: {  	s8 =	rddreg [dreg:$0xc]  }
0x26: {  	[tilespmem:s8], [sflag:$0x1] =	stream.indirect.gather [hbm4b:s6+s7], $0x1, s0, s7, $0xb8;
	[tilespmem:$0x1000] =	vst v63  }
0x27: {  	s9 =	simm.s32 $0xA00;
	s1 =	rddreg [dreg:$0xa]  }
0x28: {  	[tilespmem:s9], [sflag:$0x1] =	stream.indirect.gather [hbm4b:s6+s7], $0x1, s1, s7, $0xb8;
	[tilespmem:$0x1000] =	vst v63  }
0x29: {  	s8 =	simm.s32 $0x280;
	s1 =	simm.s32 $0xA80  }
0x2a: {  	[tilespmem:s1], [sflag:$0x1] =	stream.indirect.gather [hbm4b:s6+s7], $0x1, s8, s7, $0xb8;
	[tilespmem:$0x1000] =	vst v63  }
0x2b: {  	_ = 	snop  }
0x2c: {  	[tilespmem:s12], [sflag:$0x1] =	stream.indirect.gather [hbm4b:s6+s7], $0x1, s11, s7, $0xb8;
	[tilespmem:$0x1000] =	vst v63  }
0x2d: {  	_ = 	snop  }
0x2e: {  	[tilespmem:s14], [sflag:$0x1] =	stream.indirect.gather [hbm4b:s6+s7], $0x1, s13, s7, $0xb8;
	[tilespmem:$0x1000] =	vst v63  }
0x2f: {  	_ = 	snop  }
0x30: {  	[tilespmem:s16], [sflag:$0x1] =	stream.indirect.gather [hbm4b:s6+s7], $0x1, s15, s7, $0xb8;
	[tilespmem:$0x1000] =	vst v63  }
0x31: {  	_ = 	snop  }
0x32: {  	[tilespmem:s18], [sflag:$0x1] =	stream.indirect.gather [hbm4b:s6+s7], $0x1, s17, s7, $0xb8;
	[tilespmem:$0x1000] =	vst v63  }
0x33: {  	_ = 	snop  }
0x34: {  	[tilespmem:s20], [sflag:$0x1] =	stream.indirect.gather [hbm4b:s6+s7], $0x1, s19, s7, $0xb8;
	[tilespmem:$0x1000] =	vst v63  }
0x35: {  	_ = 	snop  }
0x36: {  	[tilespmem:s22], [sflag:$0x1] =	stream.indirect.gather [hbm4b:s6+s7], $0x1, s21, s7, $0xb8;
	[tilespmem:$0x1000] =	vst v63  }
0x37: {  	_ = 	snop  }
0x38: {  	[tilespmem:s24], [sflag:$0x1] =	stream.indirect.gather [hbm4b:s6+s7], $0x1, s23, s7, $0xb8;
	[tilespmem:$0x1000] =	vst v63  }
0x39: {  	_ = 	snop  }
0x3a: {  	[tilespmem:s26], [sflag:$0x1] =	stream.indirect.gather [hbm4b:s6+s7], $0x1, s25, s7, $0xb8;
	[tilespmem:$0x1000] =	vst v63  }
0x3b: {  	_ = 	snop  }
0x3c: {  	[tilespmem:s29], [sflag:$0x1] =	stream.indirect.gather [hbm4b:s6+s7], $0x1, s28, s7, $0xb8;
	[tilespmem:$0x1000] =	vst v63  }
0x3d: {  	_ = 	snop  }
0x3e: {  	[tilespmem:s31], [sflag:$0x1] =	stream.indirect.gather [hbm4b:s6+s7], $0x1, s30, s7, $0xb8;
	[tilespmem:$0x1000] =	vst v63  }
0x3f: {  	_ =	swait.ge [sflag:s5], $0x80  }
0x40: {  	[sflag:s5] =	ssyncset.done $0x0  }
0x41: {  	[sflag:s5] =	ssyncadd.s32 $0xFFFFFF80  }
0x42: {  	_ =	swait.ge [sflag:s5], $0x80  }
0x43: {  	[sflag:s5] =	ssyncset.done $0x0  }
0x44: {  	[sflag:s5] =	ssyncadd.s32 $0xFFFFFF80  }
0x45: {  	_ =	swait.ge [sflag:s5], $0x80  }
0x46: {  	[sflag:s5] =	ssyncset.done $0x0  }
0x47: {  	[sflag:s5] =	ssyncadd.s32 $0xFFFFFF80  }
0x48: {  	_ =	swait.ge [sflag:s5], $0x80  }
0x49: {  	[sflag:s5] =	ssyncset.done $0x0  }
0x4a: {  	[sflag:s5] =	ssyncadd.s32 $0xFFFFFF80  }
0x4b: {  	_ =	swait.ge [sflag:s5], $0x80  }
0x4c: {  	[sflag:s5] =	ssyncset.done $0x0  }
0x4d: {  	[sflag:s5] =	ssyncadd.s32 $0xFFFFFF80  }
0x4e: {  	_ =	swait.ge [sflag:s5], $0x80  }
0x4f: {  	[sflag:s5] =	ssyncset.done $0x0  }
0x50: {  	[sflag:s5] =	ssyncadd.s32 $0xFFFFFF80  }
0x51: {  	_ =	swait.ge [sflag:s5], $0x80  }
0x52: {  	[sflag:s5] =	ssyncset.done $0x0  }
0x53: {  	[sflag:s5] =	ssyncadd.s32 $0xFFFFFF80  }
0x54: {  	_ =	swait.ge [sflag:s5], $0x80  }
0x55: {  	[sflag:s5] =	ssyncset.done $0x0  }
0x56: {  	[sflag:s5] =	ssyncadd.s32 $0xFFFFFF80  }
0x57: {  	_ =	swait.ge [sflag:s5], $0x80  }
0x58: {  	[sflag:s5] =	ssyncset.done $0x0  }
0x59: {  	[sflag:s5] =	ssyncadd.s32 $0xFFFFFF80  }
0x5a: {  	_ =	swait.ge [sflag:s5], $0x80  }
0x5b: {  	[sflag:s5] =	ssyncset.done $0x0  }
0x5c: {  	[sflag:s5] =	ssyncadd.s32 $0xFFFFFF80  }
0x5d: {  	_ =	swait.ge [sflag:s5], $0x80  }
0x5e: {  	[sflag:s5] =	ssyncset.done $0x0  }
0x5f: {  	[sflag:s5] =	ssyncadd.s32 $0xFFFFFF80  }
0x60: {  	_ =	swait.ge [sflag:s5], $0x80  }
0x61: {  	[sflag:s5] =	ssyncset.done $0x0  }
0x62: {  	[sflag:s5] =	ssyncadd.s32 $0xFFFFFF80  }
0x63: {  	_ =	swait.ge [sflag:s5], $0x80  }
0x64: {  	[sflag:s5] =	ssyncset.done $0x0  }
0x65: {  	[sflag:s5] =	ssyncadd.s32 $0xFFFFFF80  }
0x66: {  	_ =	swait.ge [sflag:s5], $0x80  }
0x67: {  	[sflag:s5] =	ssyncset.done $0x0  }
0x68: {  	[sflag:s5] =	ssyncadd.s32 $0xFFFFFF80  }
0x69: {  	_ =	swait.ge [sflag:s5], $0x80  }
0x6a: {  	p1 =	sne.s32 s10, $0x1;
	[sflag:s5] =	ssyncset.done $0x0  }
.Ltmp1:
0x6b: {  	[sflag:s5] =	ssyncadd.s32 $0xFFFFFF80;
	(pc) =	sbr.rel @!p1 .LBB2_3-.Ltmp1, $4  }
0x6c: {  	_ =	swait.ge [sflag:s5], $0x80  }
0x6d: {  	p0 =	por $0x1, $0x1;
	[sflag:s5] =	ssyncset.done $0x0  }
0x6e: {  	s0 =	sadd.s32 $0xFFFFFFFF, s10;
	s9 =	rddreg [dreg:$0x4];
	[sflag:s5] =	ssyncadd.s32 $0xFFFFFF80  }
0x6f: {  	[hbm4b:s9+s2] =	stream.linear.scatter [tilespmem:s4], [sflag:$0x2], $0x800, $0x38;
	[tilespmem:$0x1000] =	vst v63  }
.LBB2_2:
0x70: {  	_ =	swait.ge [sflag:s3], $0x800  }
0x71: {  	[sflag:s3] =	ssyncset.done $0x0  }
0x72: {  	s1 =	rddreg [dreg:$0x3];
	[sflag:s3] =	ssyncadd.s32 $0xFFFFF800  }
0x73: {  	[tilespmem:s2], [sflag:$0x2] =	stream.linear.gather [hbm4b:s1+s2], $0x800, $0x38;
	[tilespmem:$0x1000] =	vst v63  }
0x74: {  	_ =	swait.ge [sflag:s3], $0x800  }
0x75: {  	s1 =	rddreg [dreg:$0x6];
	[sflag:s3] =	ssyncset.done $0x0  }
0x76: {  	s8 =	rddreg [dreg:$0x5];
	[sflag:s3] =	ssyncadd.s32 $0xFFFFF800  }
0x77: {  	[tilespmem:s4], [sflag:$0x1] =	stream.indirect.gather [hbm4b:s6+s7], $0x1, s2, s7, $0xb8;
	[tilespmem:$0x1000] =	vst v63  }
0x78: {  	s9 =	rddreg [dreg:$0x7]  }
0x79: {  	[tilespmem:s8], [sflag:$0x1] =	stream.indirect.gather [hbm4b:s6+s7], $0x1, s7, s7, $0xb8;
	[tilespmem:$0x1000] =	vst v63  }
0x7a: {  	s10 =	rddreg [dreg:$0x9]  }
0x7b: {  	[tilespmem:s9], [sflag:$0x1] =	stream.indirect.gather [hbm4b:s6+s7], $0x1, s1, s7, $0xb8;
	[tilespmem:$0x1000] =	vst v63  }
0x7c: {  	s8 =	rddreg [dreg:$0x8]  }
0x7d: {  	[tilespmem:s10], [sflag:$0x1] =	stream.indirect.gather [hbm4b:s6+s7], $0x1, s8, s7, $0xb8;
	[tilespmem:$0x1000] =	vst v63  }
0x7e: {  	s1 =	rddreg [dreg:$0xa];
	s10 =	simm.s32 $0xA00  }
0x7f: {  	[tilespmem:s10], [sflag:$0x1] =	stream.indirect.gather [hbm4b:s6+s7], $0x1, s1, s7, $0xb8;
	[tilespmem:$0x1000] =	vst v63  }
0x80: {  	s9 =	simm.s32 $0x280;
	s8 =	simm.s32 $0xA80  }
0x81: {  	[tilespmem:s8], [sflag:$0x1] =	stream.indirect.gather [hbm4b:s6+s7], $0x1, s9, s7, $0xb8;
	[tilespmem:$0x1000] =	vst v63  }
0x82: {  	_ = 	snop  }
0x83: {  	[tilespmem:s12], [sflag:$0x1] =	stream.indirect.gather [hbm4b:s6+s7], $0x1, s11, s7, $0xb8;
	[tilespmem:$0x1000] =	vst v63  }
0x84: {  	_ = 	snop  }
0x85: {  	[tilespmem:s14], [sflag:$0x1] =	stream.indirect.gather [hbm4b:s6+s7], $0x1, s13, s7, $0xb8;
	[tilespmem:$0x1000] =	vst v63  }
0x86: {  	_ = 	snop  }
0x87: {  	[tilespmem:s16], [sflag:$0x1] =	stream.indirect.gather [hbm4b:s6+s7], $0x1, s15, s7, $0xb8;
	[tilespmem:$0x1000] =	vst v63  }
0x88: {  	_ = 	snop  }
0x89: {  	[tilespmem:s18], [sflag:$0x1] =	stream.indirect.gather [hbm4b:s6+s7], $0x1, s17, s7, $0xb8;
	[tilespmem:$0x1000] =	vst v63  }
0x8a: {  	_ = 	snop  }
0x8b: {  	[tilespmem:s20], [sflag:$0x1] =	stream.indirect.gather [hbm4b:s6+s7], $0x1, s19, s7, $0xb8;
	[tilespmem:$0x1000] =	vst v63  }
0x8c: {  	_ = 	snop  }
0x8d: {  	[tilespmem:s22], [sflag:$0x1] =	stream.indirect.gather [hbm4b:s6+s7], $0x1, s21, s7, $0xb8;
	[tilespmem:$0x1000] =	vst v63  }
0x8e: {  	_ = 	snop  }
0x8f: {  	[tilespmem:s24], [sflag:$0x1] =	stream.indirect.gather [hbm4b:s6+s7], $0x1, s23, s7, $0xb8;
	[tilespmem:$0x1000] =	vst v63  }
0x90: {  	_ = 	snop  }
0x91: {  	[tilespmem:s26], [sflag:$0x1] =	stream.indirect.gather [hbm4b:s6+s7], $0x1, s25, s7, $0xb8;
	[tilespmem:$0x1000] =	vst v63  }
0x92: {  	_ = 	snop  }
0x93: {  	[tilespmem:s29], [sflag:$0x1] =	stream.indirect.gather [hbm4b:s6+s7], $0x1, s28, s7, $0xb8;
	[tilespmem:$0x1000] =	vst v63  }
0x94: {  	_ = 	snop  }
0x95: {  	[tilespmem:s31], [sflag:$0x1] =	stream.indirect.gather [hbm4b:s6+s7], $0x1, s30, s7, $0xb8;
	[tilespmem:$0x1000] =	vst v63  }
0x96: {  	_ =	swait.ge [sflag:s5], $0x80  }
0x97: {  	[sflag:s5] =	ssyncset.done $0x0  }
0x98: {  	[sflag:s5] =	ssyncadd.s32 $0xFFFFFF80  }
0x99: {  	_ =	swait.ge [sflag:s5], $0x80  }
0x9a: {  	[sflag:s5] =	ssyncset.done $0x0  }
0x9b: {  	[sflag:s5] =	ssyncadd.s32 $0xFFFFFF80  }
0x9c: {  	_ =	swait.ge [sflag:s5], $0x80  }
0x9d: {  	[sflag:s5] =	ssyncset.done $0x0  }
0x9e: {  	[sflag:s5] =	ssyncadd.s32 $0xFFFFFF80  }
0x9f: {  	_ =	swait.ge [sflag:s5], $0x80  }
0xa0: {  	[sflag:s5] =	ssyncset.done $0x0  }
0xa1: {  	[sflag:s5] =	ssyncadd.s32 $0xFFFFFF80  }
0xa2: {  	_ =	swait.ge [sflag:s5], $0x80  }
0xa3: {  	[sflag:s5] =	ssyncset.done $0x0  }
0xa4: {  	[sflag:s5] =	ssyncadd.s32 $0xFFFFFF80  }
0xa5: {  	_ =	swait.ge [sflag:s5], $0x80  }
0xa6: {  	[sflag:s5] =	ssyncset.done $0x0  }
0xa7: {  	[sflag:s5] =	ssyncadd.s32 $0xFFFFFF80  }
0xa8: {  	_ =	swait.ge [sflag:s5], $0x80  }
0xa9: {  	[sflag:s5] =	ssyncset.done $0x0  }
0xaa: {  	[sflag:s5] =	ssyncadd.s32 $0xFFFFFF80  }
0xab: {  	_ =	swait.ge [sflag:s5], $0x80  }
0xac: {  	[sflag:s5] =	ssyncset.done $0x0  }
0xad: {  	[sflag:s5] =	ssyncadd.s32 $0xFFFFFF80  }
0xae: {  	_ =	swait.ge [sflag:s5], $0x80  }
0xaf: {  	[sflag:s5] =	ssyncset.done $0x0  }
0xb0: {  	[sflag:s5] =	ssyncadd.s32 $0xFFFFFF80  }
0xb1: {  	_ =	swait.ge [sflag:s5], $0x80  }
0xb2: {  	[sflag:s5] =	ssyncset.done $0x0  }
0xb3: {  	[sflag:s5] =	ssyncadd.s32 $0xFFFFFF80  }
0xb4: {  	_ =	swait.ge [sflag:s5], $0x80  }
0xb5: {  	[sflag:s5] =	ssyncset.done $0x0  }
0xb6: {  	[sflag:s5] =	ssyncadd.s32 $0xFFFFFF80  }
0xb7: {  	_ =	swait.ge [sflag:s5], $0x80  }
0xb8: {  	[sflag:s5] =	ssyncset.done $0x0  }
0xb9: {  	[sflag:s5] =	ssyncadd.s32 $0xFFFFFF80  }
0xba: {  	_ =	swait.ge [sflag:s5], $0x80  }
0xbb: {  	[sflag:s5] =	ssyncset.done $0x0  }
0xbc: {  	[sflag:s5] =	ssyncadd.s32 $0xFFFFFF80  }
0xbd: {  	_ =	swait.ge [sflag:s5], $0x80  }
0xbe: {  	[sflag:s5] =	ssyncset.done $0x0  }
0xbf: {  	[sflag:s5] =	ssyncadd.s32 $0xFFFFFF80  }
0xc0: {  	_ =	swait.ge [sflag:s5], $0x80  }
0xc1: {  	p1 =	sne.s32 s0, $0x1;
	[sflag:s5] =	ssyncset.done $0x0  }
.Ltmp2:
0xc2: {  	[sflag:s5] =	ssyncadd.s32 $0xFFFFFF80;
	(pc) =	sbr.rel @p1 .LBB2_2-.Ltmp2, $4  }
0xc3: {  	_ =	swait.ge [sflag:s5], $0x80  }
0xc4: {  	[sflag:s5] =	ssyncset.done $0x0  }
0xc5: {  	s0 =	sadd.s32 $0xFFFFFFFF, s0;
	s10 =	rddreg [dreg:$0x4];
	[sflag:s5] =	ssyncadd.s32 $0xFFFFFF80  }
0xc6: {  	[hbm4b:s10+s2] =	stream.linear.scatter [tilespmem:s4], [sflag:$0x2], $0x800, $0x38;
	[tilespmem:$0x1000] =	vst v63  }
.LBB2_3:
0xc7: {  	_ =	swait.ge @p0 [sflag:s3], $0x800  }
0xc8: {  	[sflag:s3] =	ssyncset.done @p0 $0x0  }
0xc9: {  	s0 =	rddreg [dreg:$0x3];
	[sflag:s3] =	ssyncadd.s32 @p0 $0xFFFFF800  }
0xca: {  	[tilespmem:s2], [sflag:$0x2] =	stream.linear.gather [hbm4b:s0+s2], $0x800, $0x38;
	[tilespmem:$0x1000] =	vst v63  }
0xcb: {  	_ =	swait.ge [sflag:s3], $0x800  }
0xcc: {  	[sflag:s3] =	ssyncset.done $0x0;
	s10 =	rddreg [dreg:$0x5]  }
0xcd: {  	s0 =	rddreg [dreg:$0x6];
	[sflag:s3] =	ssyncadd.s32 $0xFFFFF800  }
0xce: {  	[tilespmem:s4], [sflag:$0x1] =	stream.indirect.gather [hbm4b:s6+s7], $0x1, s2, s7, $0xb8;
	[tilespmem:$0x1000] =	vst v63  }
0xcf: {  	s1 =	rddreg [dreg:$0x7]  }
0xd0: {  	[tilespmem:s10], [sflag:$0x1] =	stream.indirect.gather [hbm4b:s6+s7], $0x1, s7, s7, $0xb8;
	[tilespmem:$0x1000] =	vst v63  }
0xd1: {  	s8 =	rddreg [dreg:$0x9]  }
0xd2: {  	[tilespmem:s1], [sflag:$0x1] =	stream.indirect.gather [hbm4b:s6+s7], $0x1, s0, s7, $0xb8;
	[tilespmem:$0x1000] =	vst v63  }
0xd3: {  	s9 =	rddreg [dreg:$0x8]  }
0xd4: {  	[tilespmem:s8], [sflag:$0x1] =	stream.indirect.gather [hbm4b:s6+s7], $0x1, s9, s7, $0xb8;
	[tilespmem:$0x1000] =	vst v63  }
0xd5: {  	s10 =	simm.s32 $0xA00;
	s1 =	rddreg [dreg:$0xa]  }
0xd6: {  	[tilespmem:s10], [sflag:$0x1] =	stream.indirect.gather [hbm4b:s6+s7], $0x1, s1, s7, $0xb8;
	[tilespmem:$0x1000] =	vst v63  }
0xd7: {  	s9 =	simm.s32 $0xA80;
	s10 =	simm.s32 $0x280  }
0xd8: {  	[tilespmem:s9], [sflag:$0x1] =	stream.indirect.gather [hbm4b:s6+s7], $0x1, s10, s7, $0xb8;
	[tilespmem:$0x1000] =	vst v63  }
0xd9: {  	_ = 	snop  }
0xda: {  	[tilespmem:s12], [sflag:$0x1] =	stream.indirect.gather [hbm4b:s6+s7], $0x1, s11, s7, $0xb8;
	[tilespmem:$0x1000] =	vst v63  }
0xdb: {  	_ = 	snop  }
0xdc: {  	[tilespmem:s14], [sflag:$0x1] =	stream.indirect.gather [hbm4b:s6+s7], $0x1, s13, s7, $0xb8;
	[tilespmem:$0x1000] =	vst v63  }
0xdd: {  	_ = 	snop  }
0xde: {  	[tilespmem:s16], [sflag:$0x1] =	stream.indirect.gather [hbm4b:s6+s7], $0x1, s15, s7, $0xb8;
	[tilespmem:$0x1000] =	vst v63  }
0xdf: {  	_ = 	snop  }
0xe0: {  	[tilespmem:s18], [sflag:$0x1] =	stream.indirect.gather [hbm4b:s6+s7], $0x1, s17, s7, $0xb8;
	[tilespmem:$0x1000] =	vst v63  }
0xe1: {  	_ = 	snop  }
0xe2: {  	[tilespmem:s20], [sflag:$0x1] =	stream.indirect.gather [hbm4b:s6+s7], $0x1, s19, s7, $0xb8;
	[tilespmem:$0x1000] =	vst v63  }
0xe3: {  	_ = 	snop  }
0xe4: {  	[tilespmem:s22], [sflag:$0x1] =	stream.indirect.gather [hbm4b:s6+s7], $0x1, s21, s7, $0xb8;
	[tilespmem:$0x1000] =	vst v63  }
0xe5: {  	_ = 	snop  }
0xe6: {  	[tilespmem:s24], [sflag:$0x1] =	stream.indirect.gather [hbm4b:s6+s7], $0x1, s23, s7, $0xb8;
	[tilespmem:$0x1000] =	vst v63  }
0xe7: {  	_ = 	snop  }
0xe8: {  	[tilespmem:s26], [sflag:$0x1] =	stream.indirect.gather [hbm4b:s6+s7], $0x1, s25, s7, $0xb8;
	[tilespmem:$0x1000] =	vst v63  }
0xe9: {  	_ = 	snop  }
0xea: {  	[tilespmem:s29], [sflag:$0x1] =	stream.indirect.gather [hbm4b:s6+s7], $0x1, s28, s7, $0xb8;
	[tilespmem:$0x1000] =	vst v63  }
0xeb: {  	_ = 	snop  }
0xec: {  	[tilespmem:s31], [sflag:$0x1] =	stream.indirect.gather [hbm4b:s6+s7], $0x1, s30, s7, $0xb8;
	[tilespmem:$0x1000] =	vst v63  }
0xed: {  	_ =	swait.ge [sflag:s5], $0x80  }
0xee: {  	[sflag:s5] =	ssyncset.done $0x0  }
0xef: {  	[sflag:s5] =	ssyncadd.s32 $0xFFFFFF80  }
0xf0: {  	_ =	swait.ge [sflag:s5], $0x80  }
0xf1: {  	[sflag:s5] =	ssyncset.done $0x0  }
0xf2: {  	[sflag:s5] =	ssyncadd.s32 $0xFFFFFF80  }
0xf3: {  	_ =	swait.ge [sflag:s5], $0x80  }
0xf4: {  	[sflag:s5] =	ssyncset.done $0x0  }
0xf5: {  	[sflag:s5] =	ssyncadd.s32 $0xFFFFFF80  }
0xf6: {  	_ =	swait.ge [sflag:s5], $0x80  }
0xf7: {  	[sflag:s5] =	ssyncset.done $0x0  }
0xf8: {  	[sflag:s5] =	ssyncadd.s32 $0xFFFFFF80  }
0xf9: {  	_ =	swait.ge [sflag:s5], $0x80  }
0xfa: {  	[sflag:s5] =	ssyncset.done $0x0  }
0xfb: {  	[sflag:s5] =	ssyncadd.s32 $0xFFFFFF80  }
0xfc: {  	_ =	swait.ge [sflag:s5], $0x80  }
0xfd: {  	[sflag:s5] =	ssyncset.done $0x0  }
0xfe: {  	[sflag:s5] =	ssyncadd.s32 $0xFFFFFF80  }
0xff: {  	_ =	swait.ge [sflag:s5], $0x80  }
0x100: {  	[sflag:s5] =	ssyncset.done $0x0  }
0x101: {  	[sflag:s5] =	ssyncadd.s32 $0xFFFFFF80  }
0x102: {  	_ =	swait.ge [sflag:s5], $0x80  }
0x103: {  	[sflag:s5] =	ssyncset.done $0x0  }
0x104: {  	[sflag:s5] =	ssyncadd.s32 $0xFFFFFF80  }
0x105: {  	_ =	swait.ge [sflag:s5], $0x80  }
0x106: {  	[sflag:s5] =	ssyncset.done $0x0  }
0x107: {  	[sflag:s5] =	ssyncadd.s32 $0xFFFFFF80  }
0x108: {  	_ =	swait.ge [sflag:s5], $0x80  }
0x109: {  	[sflag:s5] =	ssyncset.done $0x0  }
0x10a: {  	[sflag:s5] =	ssyncadd.s32 $0xFFFFFF80  }
0x10b: {  	_ =	swait.ge [sflag:s5], $0x80  }
0x10c: {  	[sflag:s5] =	ssyncset.done $0x0  }
0x10d: {  	[sflag:s5] =	ssyncadd.s32 $0xFFFFFF80  }
0x10e: {  	_ =	swait.ge [sflag:s5], $0x80  }
0x10f: {  	[sflag:s5] =	ssyncset.done $0x0  }
0x110: {  	[sflag:s5] =	ssyncadd.s32 $0xFFFFFF80  }
0x111: {  	_ =	swait.ge [sflag:s5], $0x80  }
0x112: {  	[sflag:s5] =	ssyncset.done $0x0  }
0x113: {  	[sflag:s5] =	ssyncadd.s32 $0xFFFFFF80  }
0x114: {  	_ =	swait.ge [sflag:s5], $0x80  }
0x115: {  	[sflag:s5] =	ssyncset.done $0x0  }
0x116: {  	[sflag:s5] =	ssyncadd.s32 $0xFFFFFF80  }
0x117: {  	_ =	swait.ge [sflag:s5], $0x80  }
0x118: {  	[sflag:s5] =	ssyncset.done $0x0  }
0x119: {  	[sflag:s5] =	ssyncadd.s32 $0xFFFFFF80  }
0x11a: {  	_ =	swait.ge [sflag:s5], $0x80  }
0x11b: {  	[sflag:s5] =	ssyncset.done $0x0  }
0x11c: {  	s30 =	rddreg [dreg:$0x4];
	[sflag:s5] =	ssyncadd.s32 $0xFFFFFF80  }
0x11d: {  	[hbm4b:s30+s2] =	stream.linear.scatter [tilespmem:s4], [sflag:$0x2], $0x800, $0x38;
	[tilespmem:$0x1000] =	vst v63  }
0x11e: {  	_ =	swait.ge [sflag:s3], $0x800  }
0x11f: {  	[sflag:s3] =	ssyncset.done $0x0  }
0x120: {  	[sflag:s3] =	ssyncadd.s32 $0xFFFFF800  }
0x121: {  	_ =	sfence.sel $0x180000  }
0x122: {  	[bflag:$0x0] =	sbarrier.arrive $0xFFFF  }
0x123: {  	_ =	strace $0x90000047  }
0x124: {  	s31 =	stileid.u32;
	[bflag:$0x2] =	sbarrier.arrive $0xFFFF  }
0x125: {  	p0 =	sne.s32 s31, $0x0;
	s0 =	rddreg [dreg:$0x2]  }
0x126: {  	s0 =	sadd.s32 @!p0 $0x100000, s0  }
0x127: {  	[sflag:s0] =	ssyncadd.tile.s32 @!p0 $0x1;
	_ =	shalt  }
.Lfunc_end2:
_tile_overlayer_lowered:
.L_overlay_start_2:
0x128: {  	(tag) =	ssettag $0x2  }
0x129: {  	s0 =	rddreg [dreg:$0x0];
	s2 =	stileid.u32  }
0x12a: {  	s1 =	rddreg [dreg:$0x1];
	p0 =	sne.s32 s2, $0x0  }
0x12b: {  	s3 =	rddreg [dreg:$0x2];
	[bflag:$0x3] =	sbarrier.arrive $0xFFFF;
	s2 =	simm.s32 @!p0 $0x1C02  }
0x12c: {  	[timem:s3], [sflag:s2] =	dma.local @!p0 [hbm:s0], s1  }
0x12d: {  	s0 =	simm.s32 @!p0 $0x2  }
0x12e: {  	_ =	swait.ge @!p0 [sflag:s0], s1  }
0x12f: {  	s1 =	ssub.s32 @!p0 $0x0, s1;
	[sflag:s0] =	ssyncset.done @!p0 $0x0  }
0x130: {  	[sflag:s0] =	ssyncadd.s32 @!p0 s1  }
0x131: {  	[bflag:$0x3] =	sbarrier.arrive $0xFFFF  }
0x132: {  	_ =	shalt  }

</sc_bundles>
